<compile_context>
chip_gen: v7x
topology: tpu7x:2x2x1
jax: 0.10.2.dev20260603
libtpu: 0.0.44.dev20260713+nightly
codegen_flags: <defaults>
</compile_context>

<pallas_src>
import functools

import jax
import jax.numpy as jnp
from jax import lax
from jax.experimental import pallas as pl
from jax.experimental.pallas import tpu as pltpu
from jax.experimental.pallas import tpu_sc as plsc

VOCAB = 1000
B, T = 1024, 50
NC, NS = 2, 16
NW = NC * NS
NSL = 16
V0S = tuple(64 * i for i in range(15)) + (936,)
BLOCKS = T * 4
LAST_V0 = 936

_mesh = plsc.VectorSubcoreMesh(core_axis_name="c", subcore_axis_name="s")


@functools.partial(
    pl.kernel,
    out_type=jax.ShapeDtypeStruct((T, VOCAB, B), jnp.float32),
    mesh=_mesh,
    scratch_types=[
        pltpu.VMEM((VOCAB // 2, 128), jnp.float32),
        pltpu.VMEM((BLOCKS, 128), jnp.int32),
        pltpu.VMEM((64, 128), jnp.float32),
        pltpu.VMEM((64, 128), jnp.float32),
        pltpu.SemaphoreType.DMA((2,)),
    ],
    compiler_params=pltpu.CompilerParams(
        use_tc_tiling_on_sc=True, needs_layout_passes=False,
        disable_bounds_checks=True),
)
def _sc_gather_t(table_s, idx_u, out_t, tsl, idx_v, outf_a, outf_b, wsem):
    wid = lax.axis_index("s") * NC + lax.axis_index("c")
    c = wid // 2
    h = lax.rem(wid, 2)
    pltpu.sync_copy(table_s.at[c], tsl)
    pltpu.sync_copy(idx_u.at[wid], idx_v)

    iota = lax.iota(jnp.int32, 16)
    outf_s = (outf_a, outf_b)
    v0_abs = pl.multiple_of(jnp.where(c == NSL - 1, LAST_V0, c * 64), 8)

    def write(k, s):
        t = k // 4
        bc = 4 * h + lax.rem(k, 4)
        b0 = pl.multiple_of(bc * 128, 128)
        return pltpu.make_async_copy(
            outf_s[s],
            out_t.at[t, pl.ds(v0_abs, 64), pl.ds(b0, 128)],
            wsem.at[s])

    def transpose(k, s):
        ivecs = [idx_v[k, pl.ds(16 * bb, 16)] for bb in range(8)]
        ihi = [lax.shift_right_logical(iv, 1) for iv in ivecs]
        ilo = [lax.shift_left(iv & 1, 6) for iv in ivecs]
        bvecs = [iota + 16 * bb for bb in range(8)]

        @plsc.parallel_loop(0, 64, 1, unroll=8)
        def _(v):
            vdiag = (jnp.full((16,), v, jnp.int32) - iota) & 63
            for bb in range(8):
                vals = plsc.load_gather(tsl, [ihi[bb], ilo[bb] + vdiag])
                plsc.store_scatter(outf_s[s], [vdiag, bvecs[bb]], vals)

    def body(p, carry):
        for s in range(2):
            k = 2 * p + s

            @pl.when(p >= 1)
            def _():
                write(k - 2, s).wait()

            transpose(k, s)
            write(k, s).start()
        return carry

    lax.fori_loop(0, BLOCKS // 2, body, 0)
    write(BLOCKS - 2, 0).wait()
    write(BLOCKS - 1, 1).wait()


def kernel(idx, table):
    table_s = jnp.stack([lax.slice(table, (0, v0), (VOCAB, v0 + 64))
                         for v0 in V0S])
    table_s = table_s.reshape(NSL, VOCAB // 2, 128)

    idx_t = idx.astype(jnp.int32).T.reshape(T, 2, 4, 128)
    idx_u = jnp.broadcast_to(
        idx_t.transpose(1, 0, 2, 3)[None], (NSL, 2, T, 4, 128))
    idx_u = idx_u.reshape(NW, BLOCKS, 128)

    out_t = _sc_gather_t(table_s, idx_u)
    return jnp.transpose(out_t, (2, 0, 1))

# --- scband reference (transcript-rebuilt; emitter-appended) ---
"""Pipeline reference for scband-bigram-language-model-16690242913069 (READ-ONLY COPY).

The authoritative reference and input builder live on the scoring server;
editing this copy changes nothing except your own understanding.
"""

import jax, jax.numpy as jnp
import numpy as np

VOCAB = 1000
B, T = 1024, 50

def setup_inputs(seed: int = 0) -> dict:
    key = jax.random.key(seed)
    k_idx, k_tab = jax.random.split(key)
    idx = jax.random.randint(k_idx, (B, T), 0, VOCAB, dtype=jnp.int64 if jax.config.jax_enable_x64 else jnp.int32)
    table = jax.random.normal(k_tab, (VOCAB, VOCAB), dtype=jnp.float32)
    return {"idx": idx, "table": table}

def reference(idx, table):
    # logits = token_embedding_table(idx) -> gather rows of the bigram table
    logits = jnp.take(table, idx, axis=0)  # (B, T, VOCAB)
    return logits

if __name__ == "__main__":
    import jax
    _d = setup_inputs()
    print(jax.jit(kernel)(*tuple(_d.values())))

</pallas_src>

<mosaic_0001>
#map = affine_map<(d0, d1) -> (0, 0, 0)>
module attributes {stable_mosaic.version = 14 : i64} {
  func.func @_sc_gather_t(%arg0: i32, %arg1: i32, %arg2: memref<16x500x128xf32, #tpu.memory_space<hbm>>, %arg3: memref<32x200x128xi32, #tpu.memory_space<hbm>>, %arg4: memref<50x1000x1024xf32, #tpu.memory_space<hbm>>, %arg5: memref<500x128xf32, #tpu.memory_space<vmem>>, %arg6: memref<200x128xi32, #tpu.memory_space<vmem>>, %arg7: memref<64x128xf32, #tpu.memory_space<vmem>>, %arg8: memref<64x128xf32, #tpu.memory_space<vmem>>, %arg9: memref<2x!tpu.dma_semaphore, #tpu.memory_space<semaphore_mem>>) attributes {dimension_semantics = [#tpu.dimension_semantics<core_parallel>, #tpu.dimension_semantics<subcore_parallel>], iteration_bounds = array<i64: 2, 16>, scalar_prefetch = 0 : i64, scratch_operands = 5 : i64, tpu.core_type = #tpu.core_type<sc_vector_subcore>, window_params = [{transform_indices = #map}, {transform_indices = #map}, {transform_indices = #map}]} {
    %mul3A = arith.constant 2 : i32
    %mul3A_0 = arith.muli %arg1, %mul3A : i32
    %add3A = arith.addi %mul3A_0, %arg0 : i32
    %jit3A = arith.constant 2 : i32
    %div3A = arith.divsi %add3A, %jit3A : i32
    %sign3A = arith.constant 0 : i32
    %sign3A_1 = arith.cmpi sgt, %add3A, %sign3A : i32
    %sign3A_2 = arith.extui %sign3A_1 : i1 to i32
    %sign3A_3 = arith.constant 0 : i32
    %sign3A_4 = arith.cmpi slt, %add3A, %sign3A_3 : i32
    %sign3A_5 = arith.extui %sign3A_4 : i1 to i32
    %sign3A_6 = arith.subi %sign3A_2, %sign3A_5 : i32
    %sign3A_7 = arith.constant 0 : i32
    %sign3A_8 = arith.cmpi sgt, %jit3A, %sign3A_7 : i32
    %sign3A_9 = arith.extui %sign3A_8 : i1 to i32
    %sign3A_10 = arith.constant 0 : i32
    %sign3A_11 = arith.cmpi slt, %jit3A, %sign3A_10 : i32
    %sign3A_12 = arith.extui %sign3A_11 : i1 to i32
    %sign3A_13 = arith.subi %sign3A_9, %sign3A_12 : i32
    %ne3A = arith.cmpi ne, %sign3A_6, %sign3A_13 : i32
    %rem3A = arith.remsi %add3A, %jit3A : i32
    %ne3A_14 = arith.constant 0 : i32
    %ne3A_15 = arith.cmpi ne, %rem3A, %ne3A_14 : i32
    %and3A = arith.andi %ne3A, %ne3A_15 : i1
    %sub3A = arith.constant 1 : i32
    %sub3A_16 = arith.subi %div3A, %sub3A : i32
    %select_n3A = arith.select %and3A, %sub3A_16, %div3A : i32
    %rem3A_17 = arith.constant 2 : i32
    %rem3A_18 = arith.remsi %add3A, %rem3A_17 : i32
    "tpu.region"() ({
      %run_scoped3A = tpu.sem_alloc : memref<!tpu.dma_semaphore, #tpu.memory_space<semaphore_mem>>
      %dma_start3A = arith.constant 0 : i32
      %dma_start3A_62 = arith.constant 0 : i32
      %dma_start3A_63 = tpu.memref_slice %arg2[%select_n3A, %dma_start3A, %dma_start3A_62] : memref<16x500x128xf32, #tpu.memory_space<hbm>> -> memref<1x500x128xf32, #tpu.memory_space<hbm>>
      %dma_start3A_64 = tpu.memref_squeeze %dma_start3A_63 : memref<1x500x128xf32, #tpu.memory_space<hbm>> -> memref<500x128xf32, #tpu.memory_space<hbm>>
      %dma_start3A_65 = arith.constant 0 : i32
      %dma_start3A_66 = arith.constant 0 : i32
      %dma_start3A_67 = tpu.memref_slice %arg2[%select_n3A, %dma_start3A_65, %dma_start3A_66] : memref<16x500x128xf32, #tpu.memory_space<hbm>> -> memref<1x500x128xf32, #tpu.memory_space<hbm>>
      %dma_start3A_68 = tpu.memref_squeeze %dma_start3A_67 : memref<1x500x128xf32, #tpu.memory_space<hbm>> -> memref<500x128xf32, #tpu.memory_space<hbm>>
      tpu.enqueue_dma source(%dma_start3A_68 : memref<500x128xf32, #tpu.memory_space<hbm>>) target(%arg5 : memref<500x128xf32, #tpu.memory_space<vmem>>) target_semaphore(%run_scoped3A : memref<!tpu.dma_semaphore, #tpu.memory_space<semaphore_mem>>)
      %dma_wait3A_69 = arith.constant 0 : i32
      %dma_wait3A_70 = arith.constant 0 : i32
      %dma_wait3A_71 = tpu.memref_slice %arg2[%select_n3A, %dma_wait3A_69, %dma_wait3A_70] : memref<16x500x128xf32, #tpu.memory_space<hbm>> -> memref<1x500x128xf32, #tpu.memory_space<hbm>>
      %dma_wait3A_72 = tpu.memref_squeeze %dma_wait3A_71 : memref<1x500x128xf32, #tpu.memory_space<hbm>> -> memref<500x128xf32, #tpu.memory_space<hbm>>
      %dma_wait3A_73 = arith.constant 0 : i32
      %dma_wait3A_74 = arith.constant 0 : i32
      %dma_wait3A_75 = tpu.memref_slice %arg2[%select_n3A, %dma_wait3A_73, %dma_wait3A_74] : memref<16x500x128xf32, #tpu.memory_space<hbm>> -> memref<1x500x128xf32, #tpu.memory_space<hbm>>
      %dma_wait3A_76 = tpu.memref_squeeze %dma_wait3A_75 : memref<1x500x128xf32, #tpu.memory_space<hbm>> -> memref<500x128xf32, #tpu.memory_space<hbm>>
      tpu.wait_dma2 semaphore(%run_scoped3A : memref<!tpu.dma_semaphore, #tpu.memory_space<semaphore_mem>>) src(%dma_wait3A_76 : memref<500x128xf32, #tpu.memory_space<hbm>>) dst(%arg5 : memref<500x128xf32, #tpu.memory_space<vmem>>)
      tpu.yield
    }) : () -> ()
    "tpu.region"() ({
      %run_scoped3A = tpu.sem_alloc : memref<!tpu.dma_semaphore, #tpu.memory_space<semaphore_mem>>
      %dma_start3A = arith.constant 0 : i32
      %dma_start3A_62 = arith.constant 0 : i32
      %dma_start3A_63 = tpu.memref_slice %arg3[%add3A, %dma_start3A, %dma_start3A_62] : memref<32x200x128xi32, #tpu.memory_space<hbm>> -> memref<1x200x128xi32, #tpu.memory_space<hbm>>
      %dma_start3A_64 = tpu.memref_squeeze %dma_start3A_63 : memref<1x200x128xi32, #tpu.memory_space<hbm>> -> memref<200x128xi32, #tpu.memory_space<hbm>>
      %dma_start3A_65 = arith.constant 0 : i32
      %dma_start3A_66 = arith.constant 0 : i32
      %dma_start3A_67 = tpu.memref_slice %arg3[%add3A, %dma_start3A_65, %dma_start3A_66] : memref<32x200x128xi32, #tpu.memory_space<hbm>> -> memref<1x200x128xi32, #tpu.memory_space<hbm>>
      %dma_start3A_68 = tpu.memref_squeeze %dma_start3A_67 : memref<1x200x128xi32, #tpu.memory_space<hbm>> -> memref<200x128xi32, #tpu.memory_space<hbm>>
      tpu.enqueue_dma source(%dma_start3A_68 : memref<200x128xi32, #tpu.memory_space<hbm>>) target(%arg6 : memref<200x128xi32, #tpu.memory_space<vmem>>) target_semaphore(%run_scoped3A : memref<!tpu.dma_semaphore, #tpu.memory_space<semaphore_mem>>)
      %dma_wait3A_69 = arith.constant 0 : i32
      %dma_wait3A_70 = arith.constant 0 : i32
      %dma_wait3A_71 = tpu.memref_slice %arg3[%add3A, %dma_wait3A_69, %dma_wait3A_70] : memref<32x200x128xi32, #tpu.memory_space<hbm>> -> memref<1x200x128xi32, #tpu.memory_space<hbm>>
      %dma_wait3A_72 = tpu.memref_squeeze %dma_wait3A_71 : memref<1x200x128xi32, #tpu.memory_space<hbm>> -> memref<200x128xi32, #tpu.memory_space<hbm>>
      %dma_wait3A_73 = arith.constant 0 : i32
      %dma_wait3A_74 = arith.constant 0 : i32
      %dma_wait3A_75 = tpu.memref_slice %arg3[%add3A, %dma_wait3A_73, %dma_wait3A_74] : memref<32x200x128xi32, #tpu.memory_space<hbm>> -> memref<1x200x128xi32, #tpu.memory_space<hbm>>
      %dma_wait3A_76 = tpu.memref_squeeze %dma_wait3A_75 : memref<1x200x128xi32, #tpu.memory_space<hbm>> -> memref<200x128xi32, #tpu.memory_space<hbm>>
      tpu.wait_dma2 semaphore(%run_scoped3A : memref<!tpu.dma_semaphore, #tpu.memory_space<semaphore_mem>>) src(%dma_wait3A_76 : memref<200x128xi32, #tpu.memory_space<hbm>>) dst(%arg6 : memref<200x128xi32, #tpu.memory_space<vmem>>)
      tpu.yield
    }) : () -> ()
    %iota3A = tpu.iota {dimensions = array<i32: 0>} : vector<16xi32>
    %eq3A = arith.constant 15 : i32
    %eq3A_19 = arith.cmpi eq, %select_n3A, %eq3A : i32
    %mul3A_20 = arith.constant 64 : i32
    %mul3A_21 = arith.muli %select_n3A, %mul3A_20 : i32
    %jit3A_22 = arith.constant 936 : i32
    %select_n3A_23 = arith.select %eq3A_19, %jit3A_22, %mul3A_21 : i32
    %multiple_of3A = tpu.assume_multiple %select_n3A_23, 8 : i32
    %scan3A = arith.constant 0 : i32
    %scan3A_24 = arith.constant 0 : i32
    %scan3A_25 = arith.constant 100 : i32
    %scan3A_26 = arith.addi %scan3A_24, %scan3A_25 : i32
    %scan3A_27 = arith.constant 1 : i32
    scf.for %scan3A_62 = %scan3A_24 to %scan3A_26 step %scan3A_27  : i32 {
      %mul3A_63 = arith.constant 2 : i32
      %mul3A_64 = arith.muli %mul3A_63, %scan3A_62 : i32
      %add3A_65 = arith.constant 0 : i32
      %add3A_66 = arith.addi %mul3A_64, %add3A_65 : i32
      %ge3A = arith.constant 1 : i32
      %ge3A_67 = arith.cmpi sge, %scan3A_62, %ge3A : i32
      %convert_element_type3A = arith.extui %ge3A_67 : i1 to i32
      %cond3A = arith.constant 0 : i32
      %cond3A_68 = arith.cmpi ne, %convert_element_type3A, %cond3A : i32
      scf.if %cond3A_68 {
        %sub3A_397 = arith.constant 2 : i32
        %sub3A_398 = arith.subi %add3A_66, %sub3A_397 : i32
        %jit3A_399 = arith.constant 4 : i32
        %div3A_400 = arith.divsi %sub3A_398, %jit3A_399 : i32
        %sign3A_401 = arith.constant 0 : i32
        %sign3A_402 = arith.cmpi sgt, %sub3A_398, %sign3A_401 : i32
        %sign3A_403 = arith.extui %sign3A_402 : i1 to i32
        %sign3A_404 = arith.constant 0 : i32
        %sign3A_405 = arith.cmpi slt, %sub3A_398, %sign3A_404 : i32
        %sign3A_406 = arith.extui %sign3A_405 : i1 to i32
        %sign3A_407 = arith.subi %sign3A_403, %sign3A_406 : i32
        %sign3A_408 = arith.constant 0 : i32
        %sign3A_409 = arith.cmpi sgt, %jit3A_399, %sign3A_408 : i32
        %sign3A_410 = arith.extui %sign3A_409 : i1 to i32
        %sign3A_411 = arith.constant 0 : i32
        %sign3A_412 = arith.cmpi slt, %jit3A_399, %sign3A_411 : i32
        %sign3A_413 = arith.extui %sign3A_412 : i1 to i32
        %sign3A_414 = arith.subi %sign3A_410, %sign3A_413 : i32
        %ne3A_415 = arith.cmpi ne, %sign3A_407, %sign3A_414 : i32
        %rem3A_416 = arith.remsi %sub3A_398, %jit3A_399 : i32
        %ne3A_417 = arith.constant 0 : i32
        %ne3A_418 = arith.cmpi ne, %rem3A_416, %ne3A_417 : i32
        %and3A_419 = arith.andi %ne3A_415, %ne3A_418 : i1
        %sub3A_420 = arith.constant 1 : i32
        %sub3A_421 = arith.subi %div3A_400, %sub3A_420 : i32
        %select_n3A_422 = arith.select %and3A_419, %sub3A_421, %div3A_400 : i32
        %mul3A_423 = arith.constant 4 : i32
        %mul3A_424 = arith.muli %mul3A_423, %rem3A_18 : i32
        %rem3A_425 = arith.constant 4 : i32
        %rem3A_426 = arith.remsi %sub3A_398, %rem3A_425 : i32
        %add3A_427 = arith.addi %mul3A_424, %rem3A_426 : i32
        %mul3A_428 = arith.constant 128 : i32
        %mul3A_429 = arith.muli %add3A_427, %mul3A_428 : i32
        %multiple_of3A_430 = tpu.assume_multiple %mul3A_429, 128 : i32
        %dma_wait3A_431 = arith.constant 0 : i32
        %dma_wait3A_432 = tpu.memref_slice %arg4[%select_n3A_422, %multiple_of3A, %multiple_of3A_430] : memref<50x1000x1024xf32, #tpu.memory_space<hbm>> -> memref<1x64x128xf32, #tpu.memory_space<hbm>>
        %dma_wait3A_433 = tpu.memref_squeeze %dma_wait3A_432 : memref<1x64x128xf32, #tpu.memory_space<hbm>> -> memref<64x128xf32, #tpu.memory_space<hbm>>
        %dma_wait3A_434 = tpu.memref_slice %arg9[%dma_wait3A_431] : memref<2x!tpu.dma_semaphore, #tpu.memory_space<semaphore_mem>> -> memref<1x!tpu.dma_semaphore, #tpu.memory_space<semaphore_mem>>
        %dma_wait3A_435 = tpu.memref_squeeze %dma_wait3A_434 : memref<1x!tpu.dma_semaphore, #tpu.memory_space<semaphore_mem>> -> memref<!tpu.dma_semaphore, #tpu.memory_space<semaphore_mem>>
        %dma_wait3A_436 = tpu.memref_slice %arg4[%select_n3A_422, %multiple_of3A, %multiple_of3A_430] : memref<50x1000x1024xf32, #tpu.memory_space<hbm>> -> memref<1x64x128xf32, #tpu.memory_space<hbm>>
        %dma_wait3A_437 = tpu.memref_squeeze %dma_wait3A_436 : memref<1x64x128xf32, #tpu.memory_space<hbm>> -> memref<64x128xf32, #tpu.memory_space<hbm>>
        tpu.wait_dma2 semaphore(%dma_wait3A_435 : memref<!tpu.dma_semaphore, #tpu.memory_space<semaphore_mem>>) src(%arg7 : memref<64x128xf32, #tpu.memory_space<vmem>>) dst(%dma_wait3A_437 : memref<64x128xf32, #tpu.memory_space<hbm>>)
      } else {
      }
      %get3A = arith.index_cast %add3A_66 : i32 to index
      %get3A_69 = arith.constant 0 : index
      %get3A_70 = tpu.vector_load %arg6[%get3A, %get3A_69] {strides = array<i32>} : memref<200x128xi32, #tpu.memory_space<vmem>>, vector<16xi32>,
      %get3A_71 = arith.index_cast %add3A_66 : i32 to index
      %get3A_72 = arith.constant 16 : index
      %get3A_73 = tpu.vector_load %arg6[%get3A_71, %get3A_72] {strides = array<i32>} : memref<200x128xi32, #tpu.memory_space<vmem>>, vector<16xi32>,
      %get3A_74 = arith.index_cast %add3A_66 : i32 to index
      %get3A_75 = arith.constant 32 : index
      %get3A_76 = tpu.vector_load %arg6[%get3A_74, %get3A_75] {strides = array<i32>} : memref<200x128xi32, #tpu.memory_space<vmem>>, vector<16xi32>,
      %get3A_77 = arith.index_cast %add3A_66 : i32 to index
      %get3A_78 = arith.constant 48 : index
      %get3A_79 = tpu.vector_load %arg6[%get3A_77, %get3A_78] {strides = array<i32>} : memref<200x128xi32, #tpu.memory_space<vmem>>, vector<16xi32>,
      %get3A_80 = arith.index_cast %add3A_66 : i32 to index
      %get3A_81 = arith.constant 64 : index
      %get3A_82 = tpu.vector_load %arg6[%get3A_80, %get3A_81] {strides = array<i32>} : memref<200x128xi32, #tpu.memory_space<vmem>>, vector<16xi32>,
      %get3A_83 = arith.index_cast %add3A_66 : i32 to index
      %get3A_84 = arith.constant 80 : index
      %get3A_85 = tpu.vector_load %arg6[%get3A_83, %get3A_84] {strides = array<i32>} : memref<200x128xi32, #tpu.memory_space<vmem>>, vector<16xi32>,
      %get3A_86 = arith.index_cast %add3A_66 : i32 to index
      %get3A_87 = arith.constant 96 : index
      %get3A_88 = tpu.vector_load %arg6[%get3A_86, %get3A_87] {strides = array<i32>} : memref<200x128xi32, #tpu.memory_space<vmem>>, vector<16xi32>,
      %get3A_89 = arith.index_cast %add3A_66 : i32 to index
      %get3A_90 = arith.constant 112 : index
      %get3A_91 = tpu.vector_load %arg6[%get3A_89, %get3A_90] {strides = array<i32>} : memref<200x128xi32, #tpu.memory_space<vmem>>, vector<16xi32>,
      %shift_right_logical3A = arith.constant 1 : i32
      %shift_right_logical3A_92 = vector.broadcast %shift_right_logical3A : i32 to vector<16xi32>
      %shift_right_logical3A_93 = arith.shrui %get3A_70, %shift_right_logical3A_92 : vector<16xi32>
      %shift_right_logical3A_94 = arith.constant 1 : i32
      %shift_right_logical3A_95 = vector.broadcast %shift_right_logical3A_94 : i32 to vector<16xi32>
      %shift_right_logical3A_96 = arith.shrui %get3A_73, %shift_right_logical3A_95 : vector<16xi32>
      %shift_right_logical3A_97 = arith.constant 1 : i32
      %shift_right_logical3A_98 = vector.broadcast %shift_right_logical3A_97 : i32 to vector<16xi32>
      %shift_right_logical3A_99 = arith.shrui %get3A_76, %shift_right_logical3A_98 : vector<16xi32>
      %shift_right_logical3A_100 = arith.constant 1 : i32
      %shift_right_logical3A_101 = vector.broadcast %shift_right_logical3A_100 : i32 to vector<16xi32>
      %shift_right_logical3A_102 = arith.shrui %get3A_79, %shift_right_logical3A_101 : vector<16xi32>
      %shift_right_logical3A_103 = arith.constant 1 : i32
      %shift_right_logical3A_104 = vector.broadcast %shift_right_logical3A_103 : i32 to vector<16xi32>
      %shift_right_logical3A_105 = arith.shrui %get3A_82, %shift_right_logical3A_104 : vector<16xi32>
      %shift_right_logical3A_106 = arith.constant 1 : i32
      %shift_right_logical3A_107 = vector.broadcast %shift_right_logical3A_106 : i32 to vector<16xi32>
      %shift_right_logical3A_108 = arith.shrui %get3A_85, %shift_right_logical3A_107 : vector<16xi32>
      %shift_right_logical3A_109 = arith.constant 1 : i32
      %shift_right_logical3A_110 = vector.broadcast %shift_right_logical3A_109 : i32 to vector<16xi32>
      %shift_right_logical3A_111 = arith.shrui %get3A_88, %shift_right_logical3A_110 : vector<16xi32>
      %shift_right_logical3A_112 = arith.constant 1 : i32
      %shift_right_logical3A_113 = vector.broadcast %shift_right_logical3A_112 : i32 to vector<16xi32>
      %shift_right_logical3A_114 = arith.shrui %get3A_91, %shift_right_logical3A_113 : vector<16xi32>
      %and3A_115 = arith.constant 1 : i32
      %and3A_116 = vector.broadcast %and3A_115 : i32 to vector<16xi32>
      %and3A_117 = arith.andi %get3A_70, %and3A_116 : vector<16xi32>
      %shift_left3A = arith.constant 6 : i32
      %shift_left3A_118 = vector.broadcast %shift_left3A : i32 to vector<16xi32>
      %shift_left3A_119 = arith.shli %and3A_117, %shift_left3A_118 : vector<16xi32>
      %and3A_120 = arith.constant 1 : i32
      %and3A_121 = vector.broadcast %and3A_120 : i32 to vector<16xi32>
      %and3A_122 = arith.andi %get3A_73, %and3A_121 : vector<16xi32>
      %shift_left3A_123 = arith.constant 6 : i32
      %shift_left3A_124 = vector.broadcast %shift_left3A_123 : i32 to vector<16xi32>
      %shift_left3A_125 = arith.shli %and3A_122, %shift_left3A_124 : vector<16xi32>
      %and3A_126 = arith.constant 1 : i32
      %and3A_127 = vector.broadcast %and3A_126 : i32 to vector<16xi32>
      %and3A_128 = arith.andi %get3A_76, %and3A_127 : vector<16xi32>
      %shift_left3A_129 = arith.constant 6 : i32
      %shift_left3A_130 = vector.broadcast %shift_left3A_129 : i32 to vector<16xi32>
      %shift_left3A_131 = arith.shli %and3A_128, %shift_left3A_130 : vector<16xi32>
      %and3A_132 = arith.constant 1 : i32
      %and3A_133 = vector.broadcast %and3A_132 : i32 to vector<16xi32>
      %and3A_134 = arith.andi %get3A_79, %and3A_133 : vector<16xi32>
      %shift_left3A_135 = arith.constant 6 : i32
      %shift_left3A_136 = vector.broadcast %shift_left3A_135 : i32 to vector<16xi32>
      %shift_left3A_137 = arith.shli %and3A_134, %shift_left3A_136 : vector<16xi32>
      %and3A_138 = arith.constant 1 : i32
      %and3A_139 = vector.broadcast %and3A_138 : i32 to vector<16xi32>
      %and3A_140 = arith.andi %get3A_82, %and3A_139 : vector<16xi32>
      %shift_left3A_141 = arith.constant 6 : i32
      %shift_left3A_142 = vector.broadcast %shift_left3A_141 : i32 to vector<16xi32>
      %shift_left3A_143 = arith.shli %and3A_140, %shift_left3A_142 : vector<16xi32>
      %and3A_144 = arith.constant 1 : i32
      %and3A_145 = vector.broadcast %and3A_144 : i32 to vector<16xi32>
      %and3A_146 = arith.andi %get3A_85, %and3A_145 : vector<16xi32>
      %shift_left3A_147 = arith.constant 6 : i32
      %shift_left3A_148 = vector.broadcast %shift_left3A_147 : i32 to vector<16xi32>
      %shift_left3A_149 = arith.shli %and3A_146, %shift_left3A_148 : vector<16xi32>
      %and3A_150 = arith.constant 1 : i32
      %and3A_151 = vector.broadcast %and3A_150 : i32 to vector<16xi32>
      %and3A_152 = arith.andi %get3A_88, %and3A_151 : vector<16xi32>
      %shift_left3A_153 = arith.constant 6 : i32
      %shift_left3A_154 = vector.broadcast %shift_left3A_153 : i32 to vector<16xi32>
      %shift_left3A_155 = arith.shli %and3A_152, %shift_left3A_154 : vector<16xi32>
      %and3A_156 = arith.constant 1 : i32
      %and3A_157 = vector.broadcast %and3A_156 : i32 to vector<16xi32>
      %and3A_158 = arith.andi %get3A_91, %and3A_157 : vector<16xi32>
      %shift_left3A_159 = arith.constant 6 : i32
      %shift_left3A_160 = vector.broadcast %shift_left3A_159 : i32 to vector<16xi32>
      %shift_left3A_161 = arith.shli %and3A_158, %shift_left3A_160 : vector<16xi32>
      %add3A_162 = arith.constant 0 : i32
      %add3A_163 = vector.broadcast %add3A_162 : i32 to vector<16xi32>
      %add3A_164 = arith.addi %iota3A, %add3A_163 : vector<16xi32>
      %add3A_165 = arith.constant 16 : i32
      %add3A_166 = vector.broadcast %add3A_165 : i32 to vector<16xi32>
      %add3A_167 = arith.addi %iota3A, %add3A_166 : vector<16xi32>
      %add3A_168 = arith.constant 32 : i32
      %add3A_169 = vector.broadcast %add3A_168 : i32 to vector<16xi32>
      %add3A_170 = arith.addi %iota3A, %add3A_169 : vector<16xi32>
      %add3A_171 = arith.constant 48 : i32
      %add3A_172 = vector.broadcast %add3A_171 : i32 to vector<16xi32>
      %add3A_173 = arith.addi %iota3A, %add3A_172 : vector<16xi32>
      %add3A_174 = arith.constant 64 : i32
      %add3A_175 = vector.broadcast %add3A_174 : i32 to vector<16xi32>
      %add3A_176 = arith.addi %iota3A, %add3A_175 : vector<16xi32>
      %add3A_177 = arith.constant 80 : i32
      %add3A_178 = vector.broadcast %add3A_177 : i32 to vector<16xi32>
      %add3A_179 = arith.addi %iota3A, %add3A_178 : vector<16xi32>
      %add3A_180 = arith.constant 96 : i32
      %add3A_181 = vector.broadcast %add3A_180 : i32 to vector<16xi32>
      %add3A_182 = arith.addi %iota3A, %add3A_181 : vector<16xi32>
      %add3A_183 = arith.constant 112 : i32
      %add3A_184 = vector.broadcast %add3A_183 : i32 to vector<16xi32>
      %add3A_185 = arith.addi %iota3A, %add3A_184 : vector<16xi32>
      %parallel_loop3A = arith.constant 0 : i32
      %parallel_loop3A_186 = arith.constant 64 : i32
      %parallel_loop3A_187 = arith.constant 1 : i32
      scf.for %parallel_loop3A_397 = %parallel_loop3A to %parallel_loop3A_186 step %parallel_loop3A_187  : i32 {
        %parallel_loop3A_398 = vector.broadcast %parallel_loop3A_397 : i32 to vector<16xi32>
        %parallel_loop3A_399 = arith.subi %parallel_loop3A_398, %iota3A : vector<16xi32>
        %parallel_loop3A_400 = arith.constant 63 : i32
        %parallel_loop3A_401 = vector.broadcast %parallel_loop3A_400 : i32 to vector<16xi32>
        %parallel_loop3A_402 = arith.andi %parallel_loop3A_399, %parallel_loop3A_401 : vector<16xi32>
        %parallel_loop3A_403 = arith.addi %shift_left3A_119, %parallel_loop3A_402 : vector<16xi32>
        %parallel_loop3A_404 = tpu.vector_load_idx %arg5[%shift_right_logical3A_93, %parallel_loop3A_403] : memref<500x128xf32, #tpu.memory_space<vmem>>[vector<16xi32>, vector<16xi32>], vector<16xf32>,
        tpu.vector_store_idx %arg7[%parallel_loop3A_402, %add3A_164], %parallel_loop3A_404 : memref<64x128xf32, #tpu.memory_space<vmem>>[vector<16xi32>, vector<16xi32>], vector<16xf32>,
        %parallel_loop3A_405 = arith.addi %shift_left3A_125, %parallel_loop3A_402 : vector<16xi32>
        %parallel_loop3A_406 = tpu.vector_load_idx %arg5[%shift_right_logical3A_96, %parallel_loop3A_405] : memref<500x128xf32, #tpu.memory_space<vmem>>[vector<16xi32>, vector<16xi32>], vector<16xf32>,
        tpu.vector_store_idx %arg7[%parallel_loop3A_402, %add3A_167], %parallel_loop3A_406 : memref<64x128xf32, #tpu.memory_space<vmem>>[vector<16xi32>, vector<16xi32>], vector<16xf32>,
        %parallel_loop3A_407 = arith.addi %shift_left3A_131, %parallel_loop3A_402 : vector<16xi32>
        %parallel_loop3A_408 = tpu.vector_load_idx %arg5[%shift_right_logical3A_99, %parallel_loop3A_407] : memref<500x128xf32, #tpu.memory_space<vmem>>[vector<16xi32>, vector<16xi32>], vector<16xf32>,
        tpu.vector_store_idx %arg7[%parallel_loop3A_402, %add3A_170], %parallel_loop3A_408 : memref<64x128xf32, #tpu.memory_space<vmem>>[vector<16xi32>, vector<16xi32>], vector<16xf32>,
        %parallel_loop3A_409 = arith.addi %shift_left3A_137, %parallel_loop3A_402 : vector<16xi32>
        %parallel_loop3A_410 = tpu.vector_load_idx %arg5[%shift_right_logical3A_102, %parallel_loop3A_409] : memref<500x128xf32, #tpu.memory_space<vmem>>[vector<16xi32>, vector<16xi32>], vector<16xf32>,
        tpu.vector_store_idx %arg7[%parallel_loop3A_402, %add3A_173], %parallel_loop3A_410 : memref<64x128xf32, #tpu.memory_space<vmem>>[vector<16xi32>, vector<16xi32>], vector<16xf32>,
        %parallel_loop3A_411 = arith.addi %shift_left3A_143, %parallel_loop3A_402 : vector<16xi32>
        %parallel_loop3A_412 = tpu.vector_load_idx %arg5[%shift_right_logical3A_105, %parallel_loop3A_411] : memref<500x128xf32, #tpu.memory_space<vmem>>[vector<16xi32>, vector<16xi32>], vector<16xf32>,
        tpu.vector_store_idx %arg7[%parallel_loop3A_402, %add3A_176], %parallel_loop3A_412 : memref<64x128xf32, #tpu.memory_space<vmem>>[vector<16xi32>, vector<16xi32>], vector<16xf32>,
        %parallel_loop3A_413 = arith.addi %shift_left3A_149, %parallel_loop3A_402 : vector<16xi32>
        %parallel_loop3A_414 = tpu.vector_load_idx %arg5[%shift_right_logical3A_108, %parallel_loop3A_413] : memref<500x128xf32, #tpu.memory_space<vmem>>[vector<16xi32>, vector<16xi32>], vector<16xf32>,
        tpu.vector_store_idx %arg7[%parallel_loop3A_402, %add3A_179], %parallel_loop3A_414 : memref<64x128xf32, #tpu.memory_space<vmem>>[vector<16xi32>, vector<16xi32>], vector<16xf32>,
        %parallel_loop3A_415 = arith.addi %shift_left3A_155, %parallel_loop3A_402 : vector<16xi32>
        %parallel_loop3A_416 = tpu.vector_load_idx %arg5[%shift_right_logical3A_111, %parallel_loop3A_415] : memref<500x128xf32, #tpu.memory_space<vmem>>[vector<16xi32>, vector<16xi32>], vector<16xf32>,
        tpu.vector_store_idx %arg7[%parallel_loop3A_402, %add3A_182], %parallel_loop3A_416 : memref<64x128xf32, #tpu.memory_space<vmem>>[vector<16xi32>, vector<16xi32>], vector<16xf32>,
        %parallel_loop3A_417 = arith.addi %shift_left3A_161, %parallel_loop3A_402 : vector<16xi32>
        %parallel_loop3A_418 = tpu.vector_load_idx %arg5[%shift_right_logical3A_114, %parallel_loop3A_417] : memref<500x128xf32, #tpu.memory_space<vmem>>[vector<16xi32>, vector<16xi32>], vector<16xf32>,
        tpu.vector_store_idx %arg7[%parallel_loop3A_402, %add3A_185], %parallel_loop3A_418 : memref<64x128xf32, #tpu.memory_space<vmem>>[vector<16xi32>, vector<16xi32>], vector<16xf32>,
      } {sc.loop_unroll_factor = 8 : i64, sc.parallel_access}
      %jit3A_188 = arith.constant 4 : i32
      %div3A_189 = arith.divsi %add3A_66, %jit3A_188 : i32
      %sign3A_190 = arith.constant 0 : i32
      %sign3A_191 = arith.cmpi sgt, %add3A_66, %sign3A_190 : i32
      %sign3A_192 = arith.extui %sign3A_191 : i1 to i32
      %sign3A_193 = arith.constant 0 : i32
      %sign3A_194 = arith.cmpi slt, %add3A_66, %sign3A_193 : i32
      %sign3A_195 = arith.extui %sign3A_194 : i1 to i32
      %sign3A_196 = arith.subi %sign3A_192, %sign3A_195 : i32
      %sign3A_197 = arith.constant 0 : i32
      %sign3A_198 = arith.cmpi sgt, %jit3A_188, %sign3A_197 : i32
      %sign3A_199 = arith.extui %sign3A_198 : i1 to i32
      %sign3A_200 = arith.constant 0 : i32
      %sign3A_201 = arith.cmpi slt, %jit3A_188, %sign3A_200 : i32
      %sign3A_202 = arith.extui %sign3A_201 : i1 to i32
      %sign3A_203 = arith.subi %sign3A_199, %sign3A_202 : i32
      %ne3A_204 = arith.cmpi ne, %sign3A_196, %sign3A_203 : i32
      %rem3A_205 = arith.remsi %add3A_66, %jit3A_188 : i32
      %ne3A_206 = arith.constant 0 : i32
      %ne3A_207 = arith.cmpi ne, %rem3A_205, %ne3A_206 : i32
      %and3A_208 = arith.andi %ne3A_204, %ne3A_207 : i1
      %sub3A_209 = arith.constant 1 : i32
      %sub3A_210 = arith.subi %div3A_189, %sub3A_209 : i32
      %select_n3A_211 = arith.select %and3A_208, %sub3A_210, %div3A_189 : i32
      %mul3A_212 = arith.constant 4 : i32
      %mul3A_213 = arith.muli %mul3A_212, %rem3A_18 : i32
      %rem3A_214 = arith.constant 4 : i32
      %rem3A_215 = arith.remsi %add3A_66, %rem3A_214 : i32
      %add3A_216 = arith.addi %mul3A_213, %rem3A_215 : i32
      %mul3A_217 = arith.constant 128 : i32
      %mul3A_218 = arith.muli %add3A_216, %mul3A_217 : i32
      %multiple_of3A_219 = tpu.assume_multiple %mul3A_218, 128 : i32
      %dma_start3A = arith.constant 0 : i32
      %dma_start3A_220 = tpu.memref_slice %arg4[%select_n3A_211, %multiple_of3A, %multiple_of3A_219] : memref<50x1000x1024xf32, #tpu.memory_space<hbm>> -> memref<1x64x128xf32, #tpu.memory_space<hbm>>
      %dma_start3A_221 = tpu.memref_squeeze %dma_start3A_220 : memref<1x64x128xf32, #tpu.memory_space<hbm>> -> memref<64x128xf32, #tpu.memory_space<hbm>>
      %dma_start3A_222 = tpu.memref_slice %arg9[%dma_start3A] : memref<2x!tpu.dma_semaphore, #tpu.memory_space<semaphore_mem>> -> memref<1x!tpu.dma_semaphore, #tpu.memory_space<semaphore_mem>>
      %dma_start3A_223 = tpu.memref_squeeze %dma_start3A_222 : memref<1x!tpu.dma_semaphore, #tpu.memory_space<semaphore_mem>> -> memref<!tpu.dma_semaphore, #tpu.memory_space<semaphore_mem>>
      %dma_start3A_224 = tpu.memref_slice %arg4[%select_n3A_211, %multiple_of3A, %multiple_of3A_219] : memref<50x1000x1024xf32, #tpu.memory_space<hbm>> -> memref<1x64x128xf32, #tpu.memory_space<hbm>>
      %dma_start3A_225 = tpu.memref_squeeze %dma_start3A_224 : memref<1x64x128xf32, #tpu.memory_space<hbm>> -> memref<64x128xf32, #tpu.memory_space<hbm>>
      tpu.enqueue_dma source(%arg7 : memref<64x128xf32, #tpu.memory_space<vmem>>) target(%dma_start3A_225 : memref<64x128xf32, #tpu.memory_space<hbm>>) target_semaphore(%dma_start3A_223 : memref<!tpu.dma_semaphore, #tpu.memory_space<semaphore_mem>>)
      %mul3A_226 = arith.constant 2 : i32
      %mul3A_227 = arith.muli %mul3A_226, %scan3A_62 : i32
      %add3A_228 = arith.constant 1 : i32
      %add3A_229 = arith.addi %mul3A_227, %add3A_228 : i32
      %ge3A_230 = arith.constant 1 : i32
      %ge3A_231 = arith.cmpi sge, %scan3A_62, %ge3A_230 : i32
      %convert_element_type3A_232 = arith.extui %ge3A_231 : i1 to i32
      %cond3A_233 = arith.constant 0 : i32
      %cond3A_234 = arith.cmpi ne, %convert_element_type3A_232, %cond3A_233 : i32
      scf.if %cond3A_234 {
        %sub3A_397 = arith.constant 2 : i32
        %sub3A_398 = arith.subi %add3A_229, %sub3A_397 : i32
        %jit3A_399 = arith.constant 4 : i32
        %div3A_400 = arith.divsi %sub3A_398, %jit3A_399 : i32
        %sign3A_401 = arith.constant 0 : i32
        %sign3A_402 = arith.cmpi sgt, %sub3A_398, %sign3A_401 : i32
        %sign3A_403 = arith.extui %sign3A_402 : i1 to i32
        %sign3A_404 = arith.constant 0 : i32
        %sign3A_405 = arith.cmpi slt, %sub3A_398, %sign3A_404 : i32
        %sign3A_406 = arith.extui %sign3A_405 : i1 to i32
        %sign3A_407 = arith.subi %sign3A_403, %sign3A_406 : i32
        %sign3A_408 = arith.constant 0 : i32
        %sign3A_409 = arith.cmpi sgt, %jit3A_399, %sign3A_408 : i32
        %sign3A_410 = arith.extui %sign3A_409 : i1 to i32
        %sign3A_411 = arith.constant 0 : i32
        %sign3A_412 = arith.cmpi slt, %jit3A_399, %sign3A_411 : i32
        %sign3A_413 = arith.extui %sign3A_412 : i1 to i32
        %sign3A_414 = arith.subi %sign3A_410, %sign3A_413 : i32
        %ne3A_415 = arith.cmpi ne, %sign3A_407, %sign3A_414 : i32
        %rem3A_416 = arith.remsi %sub3A_398, %jit3A_399 : i32
        %ne3A_417 = arith.constant 0 : i32
        %ne3A_418 = arith.cmpi ne, %rem3A_416, %ne3A_417 : i32
        %and3A_419 = arith.andi %ne3A_415, %ne3A_418 : i1
        %sub3A_420 = arith.constant 1 : i32
        %sub3A_421 = arith.subi %div3A_400, %sub3A_420 : i32
        %select_n3A_422 = arith.select %and3A_419, %sub3A_421, %div3A_400 : i32
        %mul3A_423 = arith.constant 4 : i32
        %mul3A_424 = arith.muli %mul3A_423, %rem3A_18 : i32
        %rem3A_425 = arith.constant 4 : i32
        %rem3A_426 = arith.remsi %sub3A_398, %rem3A_425 : i32
        %add3A_427 = arith.addi %mul3A_424, %rem3A_426 : i32
        %mul3A_428 = arith.constant 128 : i32
        %mul3A_429 = arith.muli %add3A_427, %mul3A_428 : i32
        %multiple_of3A_430 = tpu.assume_multiple %mul3A_429, 128 : i32
        %dma_wait3A_431 = arith.constant 1 : i32
        %dma_wait3A_432 = tpu.memref_slice %arg4[%select_n3A_422, %multiple_of3A, %multiple_of3A_430] : memref<50x1000x1024xf32, #tpu.memory_space<hbm>> -> memref<1x64x128xf32, #tpu.memory_space<hbm>>
        %dma_wait3A_433 = tpu.memref_squeeze %dma_wait3A_432 : memref<1x64x128xf32, #tpu.memory_space<hbm>> -> memref<64x128xf32, #tpu.memory_space<hbm>>
        %dma_wait3A_434 = tpu.memref_slice %arg9[%dma_wait3A_431] : memref<2x!tpu.dma_semaphore, #tpu.memory_space<semaphore_mem>> -> memref<1x!tpu.dma_semaphore, #tpu.memory_space<semaphore_mem>>
        %dma_wait3A_435 = tpu.memref_squeeze %dma_wait3A_434 : memref<1x!tpu.dma_semaphore, #tpu.memory_space<semaphore_mem>> -> memref<!tpu.dma_semaphore, #tpu.memory_space<semaphore_mem>>
        %dma_wait3A_436 = tpu.memref_slice %arg4[%select_n3A_422, %multiple_of3A, %multiple_of3A_430] : memref<50x1000x1024xf32, #tpu.memory_space<hbm>> -> memref<1x64x128xf32, #tpu.memory_space<hbm>>
        %dma_wait3A_437 = tpu.memref_squeeze %dma_wait3A_436 : memref<1x64x128xf32, #tpu.memory_space<hbm>> -> memref<64x128xf32, #tpu.memory_space<hbm>>
        tpu.wait_dma2 semaphore(%dma_wait3A_435 : memref<!tpu.dma_semaphore, #tpu.memory_space<semaphore_mem>>) src(%arg8 : memref<64x128xf32, #tpu.memory_space<vmem>>) dst(%dma_wait3A_437 : memref<64x128xf32, #tpu.memory_space<hbm>>)
      } else {
      }
      %get3A_235 = arith.index_cast %add3A_229 : i32 to index
      %get3A_236 = arith.constant 0 : index
      %get3A_237 = tpu.vector_load %arg6[%get3A_235, %get3A_236] {strides = array<i32>} : memref<200x128xi32, #tpu.memory_space<vmem>>, vector<16xi32>,
      %get3A_238 = arith.index_cast %add3A_229 : i32 to index
      %get3A_239 = arith.constant 16 : index
      %get3A_240 = tpu.vector_load %arg6[%get3A_238, %get3A_239] {strides = array<i32>} : memref<200x128xi32, #tpu.memory_space<vmem>>, vector<16xi32>,
      %get3A_241 = arith.index_cast %add3A_229 : i32 to index
      %get3A_242 = arith.constant 32 : index
      %get3A_243 = tpu.vector_load %arg6[%get3A_241, %get3A_242] {strides = array<i32>} : memref<200x128xi32, #tpu.memory_space<vmem>>, vector<16xi32>,
      %get3A_244 = arith.index_cast %add3A_229 : i32 to index
      %get3A_245 = arith.constant 48 : index
      %get3A_246 = tpu.vector_load %arg6[%get3A_244, %get3A_245] {strides = array<i32>} : memref<200x128xi32, #tpu.memory_space<vmem>>, vector<16xi32>,
      %get3A_247 = arith.index_cast %add3A_229 : i32 to index
      %get3A_248 = arith.constant 64 : index
      %get3A_249 = tpu.vector_load %arg6[%get3A_247, %get3A_248] {strides = array<i32>} : memref<200x128xi32, #tpu.memory_space<vmem>>, vector<16xi32>,
      %get3A_250 = arith.index_cast %add3A_229 : i32 to index
      %get3A_251 = arith.constant 80 : index
      %get3A_252 = tpu.vector_load %arg6[%get3A_250, %get3A_251] {strides = array<i32>} : memref<200x128xi32, #tpu.memory_space<vmem>>, vector<16xi32>,
      %get3A_253 = arith.index_cast %add3A_229 : i32 to index
      %get3A_254 = arith.constant 96 : index
      %get3A_255 = tpu.vector_load %arg6[%get3A_253, %get3A_254] {strides = array<i32>} : memref<200x128xi32, #tpu.memory_space<vmem>>, vector<16xi32>,
      %get3A_256 = arith.index_cast %add3A_229 : i32 to index
      %get3A_257 = arith.constant 112 : index
      %get3A_258 = tpu.vector_load %arg6[%get3A_256, %get3A_257] {strides = array<i32>} : memref<200x128xi32, #tpu.memory_space<vmem>>, vector<16xi32>,
      %shift_right_logical3A_259 = arith.constant 1 : i32
      %shift_right_logical3A_260 = vector.broadcast %shift_right_logical3A_259 : i32 to vector<16xi32>
      %shift_right_logical3A_261 = arith.shrui %get3A_237, %shift_right_logical3A_260 : vector<16xi32>
      %shift_right_logical3A_262 = arith.constant 1 : i32
      %shift_right_logical3A_263 = vector.broadcast %shift_right_logical3A_262 : i32 to vector<16xi32>
      %shift_right_logical3A_264 = arith.shrui %get3A_240, %shift_right_logical3A_263 : vector<16xi32>
      %shift_right_logical3A_265 = arith.constant 1 : i32
      %shift_right_logical3A_266 = vector.broadcast %shift_right_logical3A_265 : i32 to vector<16xi32>
      %shift_right_logical3A_267 = arith.shrui %get3A_243, %shift_right_logical3A_266 : vector<16xi32>
      %shift_right_logical3A_268 = arith.constant 1 : i32
      %shift_right_logical3A_269 = vector.broadcast %shift_right_logical3A_268 : i32 to vector<16xi32>
      %shift_right_logical3A_270 = arith.shrui %get3A_246, %shift_right_logical3A_269 : vector<16xi32>
      %shift_right_logical3A_271 = arith.constant 1 : i32
      %shift_right_logical3A_272 = vector.broadcast %shift_right_logical3A_271 : i32 to vector<16xi32>
      %shift_right_logical3A_273 = arith.shrui %get3A_249, %shift_right_logical3A_272 : vector<16xi32>
      %shift_right_logical3A_274 = arith.constant 1 : i32
      %shift_right_logical3A_275 = vector.broadcast %shift_right_logical3A_274 : i32 to vector<16xi32>
      %shift_right_logical3A_276 = arith.shrui %get3A_252, %shift_right_logical3A_275 : vector<16xi32>
      %shift_right_logical3A_277 = arith.constant 1 : i32
      %shift_right_logical3A_278 = vector.broadcast %shift_right_logical3A_277 : i32 to vector<16xi32>
      %shift_right_logical3A_279 = arith.shrui %get3A_255, %shift_right_logical3A_278 : vector<16xi32>
      %shift_right_logical3A_280 = arith.constant 1 : i32
      %shift_right_logical3A_281 = vector.broadcast %shift_right_logical3A_280 : i32 to vector<16xi32>
      %shift_right_logical3A_282 = arith.shrui %get3A_258, %shift_right_logical3A_281 : vector<16xi32>
      %and3A_283 = arith.constant 1 : i32
      %and3A_284 = vector.broadcast %and3A_283 : i32 to vector<16xi32>
      %and3A_285 = arith.andi %get3A_237, %and3A_284 : vector<16xi32>
      %shift_left3A_286 = arith.constant 6 : i32
      %shift_left3A_287 = vector.broadcast %shift_left3A_286 : i32 to vector<16xi32>
      %shift_left3A_288 = arith.shli %and3A_285, %shift_left3A_287 : vector<16xi32>
      %and3A_289 = arith.constant 1 : i32
      %and3A_290 = vector.broadcast %and3A_289 : i32 to vector<16xi32>
      %and3A_291 = arith.andi %get3A_240, %and3A_290 : vector<16xi32>
      %shift_left3A_292 = arith.constant 6 : i32
      %shift_left3A_293 = vector.broadcast %shift_left3A_292 : i32 to vector<16xi32>
      %shift_left3A_294 = arith.shli %and3A_291, %shift_left3A_293 : vector<16xi32>
      %and3A_295 = arith.constant 1 : i32
      %and3A_296 = vector.broadcast %and3A_295 : i32 to vector<16xi32>
      %and3A_297 = arith.andi %get3A_243, %and3A_296 : vector<16xi32>
      %shift_left3A_298 = arith.constant 6 : i32
      %shift_left3A_299 = vector.broadcast %shift_left3A_298 : i32 to vector<16xi32>
      %shift_left3A_300 = arith.shli %and3A_297, %shift_left3A_299 : vector<16xi32>
      %and3A_301 = arith.constant 1 : i32
      %and3A_302 = vector.broadcast %and3A_301 : i32 to vector<16xi32>
      %and3A_303 = arith.andi %get3A_246, %and3A_302 : vector<16xi32>
      %shift_left3A_304 = arith.constant 6 : i32
      %shift_left3A_305 = vector.broadcast %shift_left3A_304 : i32 to vector<16xi32>
      %shift_left3A_306 = arith.shli %and3A_303, %shift_left3A_305 : vector<16xi32>
      %and3A_307 = arith.constant 1 : i32
      %and3A_308 = vector.broadcast %and3A_307 : i32 to vector<16xi32>
      %and3A_309 = arith.andi %get3A_249, %and3A_308 : vector<16xi32>
      %shift_left3A_310 = arith.constant 6 : i32
      %shift_left3A_311 = vector.broadcast %shift_left3A_310 : i32 to vector<16xi32>
      %shift_left3A_312 = arith.shli %and3A_309, %shift_left3A_311 : vector<16xi32>
      %and3A_313 = arith.constant 1 : i32
      %and3A_314 = vector.broadcast %and3A_313 : i32 to vector<16xi32>
      %and3A_315 = arith.andi %get3A_252, %and3A_314 : vector<16xi32>
      %shift_left3A_316 = arith.constant 6 : i32
      %shift_left3A_317 = vector.broadcast %shift_left3A_316 : i32 to vector<16xi32>
      %shift_left3A_318 = arith.shli %and3A_315, %shift_left3A_317 : vector<16xi32>
      %and3A_319 = arith.constant 1 : i32
      %and3A_320 = vector.broadcast %and3A_319 : i32 to vector<16xi32>
      %and3A_321 = arith.andi %get3A_255, %and3A_320 : vector<16xi32>
      %shift_left3A_322 = arith.constant 6 : i32
      %shift_left3A_323 = vector.broadcast %shift_left3A_322 : i32 to vector<16xi32>
      %shift_left3A_324 = arith.shli %and3A_321, %shift_left3A_323 : vector<16xi32>
      %and3A_325 = arith.constant 1 : i32
      %and3A_326 = vector.broadcast %and3A_325 : i32 to vector<16xi32>
      %and3A_327 = arith.andi %get3A_258, %and3A_326 : vector<16xi32>
      %shift_left3A_328 = arith.constant 6 : i32
      %shift_left3A_329 = vector.broadcast %shift_left3A_328 : i32 to vector<16xi32>
      %shift_left3A_330 = arith.shli %and3A_327, %shift_left3A_329 : vector<16xi32>
      %add3A_331 = arith.constant 0 : i32
      %add3A_332 = vector.broadcast %add3A_331 : i32 to vector<16xi32>
      %add3A_333 = arith.addi %iota3A, %add3A_332 : vector<16xi32>
      %add3A_334 = arith.constant 16 : i32
      %add3A_335 = vector.broadcast %add3A_334 : i32 to vector<16xi32>
      %add3A_336 = arith.addi %iota3A, %add3A_335 : vector<16xi32>
      %add3A_337 = arith.constant 32 : i32
      %add3A_338 = vector.broadcast %add3A_337 : i32 to vector<16xi32>
      %add3A_339 = arith.addi %iota3A, %add3A_338 : vector<16xi32>
      %add3A_340 = arith.constant 48 : i32
      %add3A_341 = vector.broadcast %add3A_340 : i32 to vector<16xi32>
      %add3A_342 = arith.addi %iota3A, %add3A_341 : vector<16xi32>
      %add3A_343 = arith.constant 64 : i32
      %add3A_344 = vector.broadcast %add3A_343 : i32 to vector<16xi32>
      %add3A_345 = arith.addi %iota3A, %add3A_344 : vector<16xi32>
      %add3A_346 = arith.constant 80 : i32
      %add3A_347 = vector.broadcast %add3A_346 : i32 to vector<16xi32>
      %add3A_348 = arith.addi %iota3A, %add3A_347 : vector<16xi32>
      %add3A_349 = arith.constant 96 : i32
      %add3A_350 = vector.broadcast %add3A_349 : i32 to vector<16xi32>
      %add3A_351 = arith.addi %iota3A, %add3A_350 : vector<16xi32>
      %add3A_352 = arith.constant 112 : i32
      %add3A_353 = vector.broadcast %add3A_352 : i32 to vector<16xi32>
      %add3A_354 = arith.addi %iota3A, %add3A_353 : vector<16xi32>
      %parallel_loop3A_355 = arith.constant 0 : i32
      %parallel_loop3A_356 = arith.constant 64 : i32
      %parallel_loop3A_357 = arith.constant 1 : i32
      scf.for %parallel_loop3A_397 = %parallel_loop3A_355 to %parallel_loop3A_356 step %parallel_loop3A_357  : i32 {
        %parallel_loop3A_398 = vector.broadcast %parallel_loop3A_397 : i32 to vector<16xi32>
        %parallel_loop3A_399 = arith.subi %parallel_loop3A_398, %iota3A : vector<16xi32>
        %parallel_loop3A_400 = arith.constant 63 : i32
        %parallel_loop3A_401 = vector.broadcast %parallel_loop3A_400 : i32 to vector<16xi32>
        %parallel_loop3A_402 = arith.andi %parallel_loop3A_399, %parallel_loop3A_401 : vector<16xi32>
        %parallel_loop3A_403 = arith.addi %shift_left3A_288, %parallel_loop3A_402 : vector<16xi32>
        %parallel_loop3A_404 = tpu.vector_load_idx %arg5[%shift_right_logical3A_261, %parallel_loop3A_403] : memref<500x128xf32, #tpu.memory_space<vmem>>[vector<16xi32>, vector<16xi32>], vector<16xf32>,
        tpu.vector_store_idx %arg8[%parallel_loop3A_402, %add3A_333], %parallel_loop3A_404 : memref<64x128xf32, #tpu.memory_space<vmem>>[vector<16xi32>, vector<16xi32>], vector<16xf32>,
        %parallel_loop3A_405 = arith.addi %shift_left3A_294, %parallel_loop3A_402 : vector<16xi32>
        %parallel_loop3A_406 = tpu.vector_load_idx %arg5[%shift_right_logical3A_264, %parallel_loop3A_405] : memref<500x128xf32, #tpu.memory_space<vmem>>[vector<16xi32>, vector<16xi32>], vector<16xf32>,
        tpu.vector_store_idx %arg8[%parallel_loop3A_402, %add3A_336], %parallel_loop3A_406 : memref<64x128xf32, #tpu.memory_space<vmem>>[vector<16xi32>, vector<16xi32>], vector<16xf32>,
        %parallel_loop3A_407 = arith.addi %shift_left3A_300, %parallel_loop3A_402 : vector<16xi32>
        %parallel_loop3A_408 = tpu.vector_load_idx %arg5[%shift_right_logical3A_267, %parallel_loop3A_407] : memref<500x128xf32, #tpu.memory_space<vmem>>[vector<16xi32>, vector<16xi32>], vector<16xf32>,
        tpu.vector_store_idx %arg8[%parallel_loop3A_402, %add3A_339], %parallel_loop3A_408 : memref<64x128xf32, #tpu.memory_space<vmem>>[vector<16xi32>, vector<16xi32>], vector<16xf32>,
        %parallel_loop3A_409 = arith.addi %shift_left3A_306, %parallel_loop3A_402 : vector<16xi32>
        %parallel_loop3A_410 = tpu.vector_load_idx %arg5[%shift_right_logical3A_270, %parallel_loop3A_409] : memref<500x128xf32, #tpu.memory_space<vmem>>[vector<16xi32>, vector<16xi32>], vector<16xf32>,
        tpu.vector_store_idx %arg8[%parallel_loop3A_402, %add3A_342], %parallel_loop3A_410 : memref<64x128xf32, #tpu.memory_space<vmem>>[vector<16xi32>, vector<16xi32>], vector<16xf32>,
        %parallel_loop3A_411 = arith.addi %shift_left3A_312, %parallel_loop3A_402 : vector<16xi32>
        %parallel_loop3A_412 = tpu.vector_load_idx %arg5[%shift_right_logical3A_273, %parallel_loop3A_411] : memref<500x128xf32, #tpu.memory_space<vmem>>[vector<16xi32>, vector<16xi32>], vector<16xf32>,
        tpu.vector_store_idx %arg8[%parallel_loop3A_402, %add3A_345], %parallel_loop3A_412 : memref<64x128xf32, #tpu.memory_space<vmem>>[vector<16xi32>, vector<16xi32>], vector<16xf32>,
        %parallel_loop3A_413 = arith.addi %shift_left3A_318, %parallel_loop3A_402 : vector<16xi32>
        %parallel_loop3A_414 = tpu.vector_load_idx %arg5[%shift_right_logical3A_276, %parallel_loop3A_413] : memref<500x128xf32, #tpu.memory_space<vmem>>[vector<16xi32>, vector<16xi32>], vector<16xf32>,
        tpu.vector_store_idx %arg8[%parallel_loop3A_402, %add3A_348], %parallel_loop3A_414 : memref<64x128xf32, #tpu.memory_space<vmem>>[vector<16xi32>, vector<16xi32>], vector<16xf32>,
        %parallel_loop3A_415 = arith.addi %shift_left3A_324, %parallel_loop3A_402 : vector<16xi32>
        %parallel_loop3A_416 = tpu.vector_load_idx %arg5[%shift_right_logical3A_279, %parallel_loop3A_415] : memref<500x128xf32, #tpu.memory_space<vmem>>[vector<16xi32>, vector<16xi32>], vector<16xf32>,
        tpu.vector_store_idx %arg8[%parallel_loop3A_402, %add3A_351], %parallel_loop3A_416 : memref<64x128xf32, #tpu.memory_space<vmem>>[vector<16xi32>, vector<16xi32>], vector<16xf32>,
        %parallel_loop3A_417 = arith.addi %shift_left3A_330, %parallel_loop3A_402 : vector<16xi32>
        %parallel_loop3A_418 = tpu.vector_load_idx %arg5[%shift_right_logical3A_282, %parallel_loop3A_417] : memref<500x128xf32, #tpu.memory_space<vmem>>[vector<16xi32>, vector<16xi32>], vector<16xf32>,
        tpu.vector_store_idx %arg8[%parallel_loop3A_402, %add3A_354], %parallel_loop3A_418 : memref<64x128xf32, #tpu.memory_space<vmem>>[vector<16xi32>, vector<16xi32>], vector<16xf32>,
      } {sc.loop_unroll_factor = 8 : i64, sc.parallel_access}
      %jit3A_358 = arith.constant 4 : i32
      %div3A_359 = arith.divsi %add3A_229, %jit3A_358 : i32
      %sign3A_360 = arith.constant 0 : i32
      %sign3A_361 = arith.cmpi sgt, %add3A_229, %sign3A_360 : i32
      %sign3A_362 = arith.extui %sign3A_361 : i1 to i32
      %sign3A_363 = arith.constant 0 : i32
      %sign3A_364 = arith.cmpi slt, %add3A_229, %sign3A_363 : i32
      %sign3A_365 = arith.extui %sign3A_364 : i1 to i32
      %sign3A_366 = arith.subi %sign3A_362, %sign3A_365 : i32
      %sign3A_367 = arith.constant 0 : i32
      %sign3A_368 = arith.cmpi sgt, %jit3A_358, %sign3A_367 : i32
      %sign3A_369 = arith.extui %sign3A_368 : i1 to i32
      %sign3A_370 = arith.constant 0 : i32
      %sign3A_371 = arith.cmpi slt, %jit3A_358, %sign3A_370 : i32
      %sign3A_372 = arith.extui %sign3A_371 : i1 to i32
      %sign3A_373 = arith.subi %sign3A_369, %sign3A_372 : i32
      %ne3A_374 = arith.cmpi ne, %sign3A_366, %sign3A_373 : i32
      %rem3A_375 = arith.remsi %add3A_229, %jit3A_358 : i32
      %ne3A_376 = arith.constant 0 : i32
      %ne3A_377 = arith.cmpi ne, %rem3A_375, %ne3A_376 : i32
      %and3A_378 = arith.andi %ne3A_374, %ne3A_377 : i1
      %sub3A_379 = arith.constant 1 : i32
      %sub3A_380 = arith.subi %div3A_359, %sub3A_379 : i32
      %select_n3A_381 = arith.select %and3A_378, %sub3A_380, %div3A_359 : i32
      %mul3A_382 = arith.constant 4 : i32
      %mul3A_383 = arith.muli %mul3A_382, %rem3A_18 : i32
      %rem3A_384 = arith.constant 4 : i32
      %rem3A_385 = arith.remsi %add3A_229, %rem3A_384 : i32
      %add3A_386 = arith.addi %mul3A_383, %rem3A_385 : i32
      %mul3A_387 = arith.constant 128 : i32
      %mul3A_388 = arith.muli %add3A_386, %mul3A_387 : i32
      %multiple_of3A_389 = tpu.assume_multiple %mul3A_388, 128 : i32
      %dma_start3A_390 = arith.constant 1 : i32
      %dma_start3A_391 = tpu.memref_slice %arg4[%select_n3A_381, %multiple_of3A, %multiple_of3A_389] : memref<50x1000x1024xf32, #tpu.memory_space<hbm>> -> memref<1x64x128xf32, #tpu.memory_space<hbm>>
      %dma_start3A_392 = tpu.memref_squeeze %dma_start3A_391 : memref<1x64x128xf32, #tpu.memory_space<hbm>> -> memref<64x128xf32, #tpu.memory_space<hbm>>
      %dma_start3A_393 = tpu.memref_slice %arg9[%dma_start3A_390] : memref<2x!tpu.dma_semaphore, #tpu.memory_space<semaphore_mem>> -> memref<1x!tpu.dma_semaphore, #tpu.memory_space<semaphore_mem>>
      %dma_start3A_394 = tpu.memref_squeeze %dma_start3A_393 : memref<1x!tpu.dma_semaphore, #tpu.memory_space<semaphore_mem>> -> memref<!tpu.dma_semaphore, #tpu.memory_space<semaphore_mem>>
      %dma_start3A_395 = tpu.memref_slice %arg4[%select_n3A_381, %multiple_of3A, %multiple_of3A_389] : memref<50x1000x1024xf32, #tpu.memory_space<hbm>> -> memref<1x64x128xf32, #tpu.memory_space<hbm>>
      %dma_start3A_396 = tpu.memref_squeeze %dma_start3A_395 : memref<1x64x128xf32, #tpu.memory_space<hbm>> -> memref<64x128xf32, #tpu.memory_space<hbm>>
      tpu.enqueue_dma source(%arg8 : memref<64x128xf32, #tpu.memory_space<vmem>>) target(%dma_start3A_396 : memref<64x128xf32, #tpu.memory_space<hbm>>) target_semaphore(%dma_start3A_394 : memref<!tpu.dma_semaphore, #tpu.memory_space<semaphore_mem>>)
    }
    %scan3A_28 = arith.constant 100 : i32
    %mul3A_29 = arith.constant 4 : i32
    %mul3A_30 = arith.muli %mul3A_29, %rem3A_18 : i32
    %rem3A_31 = arith.constant 198 : i32
    %rem3A_32 = arith.constant 4 : i32
    %rem3A_33 = arith.remsi %rem3A_31, %rem3A_32 : i32
    %add3A_34 = arith.addi %mul3A_30, %rem3A_33 : i32
    %mul3A_35 = arith.constant 128 : i32
    %mul3A_36 = arith.muli %add3A_34, %mul3A_35 : i32
    %multiple_of3A_37 = tpu.assume_multiple %mul3A_36, 128 : i32
    %dma_wait3A = arith.constant 49 : i32
    %dma_wait3A_38 = arith.constant 0 : i32
    %dma_wait3A_39 = tpu.memref_slice %arg4[%dma_wait3A, %multiple_of3A, %multiple_of3A_37] : memref<50x1000x1024xf32, #tpu.memory_space<hbm>> -> memref<1x64x128xf32, #tpu.memory_space<hbm>>
    %dma_wait3A_40 = tpu.memref_squeeze %dma_wait3A_39 : memref<1x64x128xf32, #tpu.memory_space<hbm>> -> memref<64x128xf32, #tpu.memory_space<hbm>>
    %dma_wait3A_41 = tpu.memref_slice %arg9[%dma_wait3A_38] : memref<2x!tpu.dma_semaphore, #tpu.memory_space<semaphore_mem>> -> memref<1x!tpu.dma_semaphore, #tpu.memory_space<semaphore_mem>>
    %dma_wait3A_42 = tpu.memref_squeeze %dma_wait3A_41 : memref<1x!tpu.dma_semaphore, #tpu.memory_space<semaphore_mem>> -> memref<!tpu.dma_semaphore, #tpu.memory_space<semaphore_mem>>
    %dma_wait3A_43 = tpu.memref_slice %arg4[%dma_wait3A, %multiple_of3A, %multiple_of3A_37] : memref<50x1000x1024xf32, #tpu.memory_space<hbm>> -> memref<1x64x128xf32, #tpu.memory_space<hbm>>
    %dma_wait3A_44 = tpu.memref_squeeze %dma_wait3A_43 : memref<1x64x128xf32, #tpu.memory_space<hbm>> -> memref<64x128xf32, #tpu.memory_space<hbm>>
    tpu.wait_dma2 semaphore(%dma_wait3A_42 : memref<!tpu.dma_semaphore, #tpu.memory_space<semaphore_mem>>) src(%arg7 : memref<64x128xf32, #tpu.memory_space<vmem>>) dst(%dma_wait3A_44 : memref<64x128xf32, #tpu.memory_space<hbm>>)
    %mul3A_45 = arith.constant 4 : i32
    %mul3A_46 = arith.muli %mul3A_45, %rem3A_18 : i32
    %rem3A_47 = arith.constant 199 : i32
    %rem3A_48 = arith.constant 4 : i32
    %rem3A_49 = arith.remsi %rem3A_47, %rem3A_48 : i32
    %add3A_50 = arith.addi %mul3A_46, %rem3A_49 : i32
    %mul3A_51 = arith.constant 128 : i32
    %mul3A_52 = arith.muli %add3A_50, %mul3A_51 : i32
    %multiple_of3A_53 = tpu.assume_multiple %mul3A_52, 128 : i32
    %dma_wait3A_54 = arith.constant 49 : i32
    %dma_wait3A_55 = arith.constant 1 : i32
    %dma_wait3A_56 = tpu.memref_slice %arg4[%dma_wait3A_54, %multiple_of3A, %multiple_of3A_53] : memref<50x1000x1024xf32, #tpu.memory_space<hbm>> -> memref<1x64x128xf32, #tpu.memory_space<hbm>>
    %dma_wait3A_57 = tpu.memref_squeeze %dma_wait3A_56 : memref<1x64x128xf32, #tpu.memory_space<hbm>> -> memref<64x128xf32, #tpu.memory_space<hbm>>
    %dma_wait3A_58 = tpu.memref_slice %arg9[%dma_wait3A_55] : memref<2x!tpu.dma_semaphore, #tpu.memory_space<semaphore_mem>> -> memref<1x!tpu.dma_semaphore, #tpu.memory_space<semaphore_mem>>
    %dma_wait3A_59 = tpu.memref_squeeze %dma_wait3A_58 : memref<1x!tpu.dma_semaphore, #tpu.memory_space<semaphore_mem>> -> memref<!tpu.dma_semaphore, #tpu.memory_space<semaphore_mem>>
    %dma_wait3A_60 = tpu.memref_slice %arg4[%dma_wait3A_54, %multiple_of3A, %multiple_of3A_53] : memref<50x1000x1024xf32, #tpu.memory_space<hbm>> -> memref<1x64x128xf32, #tpu.memory_space<hbm>>
    %dma_wait3A_61 = tpu.memref_squeeze %dma_wait3A_60 : memref<1x64x128xf32, #tpu.memory_space<hbm>> -> memref<64x128xf32, #tpu.memory_space<hbm>>
    tpu.wait_dma2 semaphore(%dma_wait3A_59 : memref<!tpu.dma_semaphore, #tpu.memory_space<semaphore_mem>>) src(%arg8 : memref<64x128xf32, #tpu.memory_space<vmem>>) dst(%dma_wait3A_61 : memref<64x128xf32, #tpu.memory_space<hbm>>)
    return
  }
}

</mosaic_0001>

<sc_bundles>
// kernel: kernel.3.cloned.1.call-start
scs
__scs_entry_jumppad:
0x0: {  	(pc) =	sbr.rel $0x88, $3  }
0x1: {  	(tag) =	ssettag $0x0;
	lr =	simm.s32 $0x1  }
0x2: {  	[smem:$0x3F9F] =	sst lr;
	_ =	strace $0xD0000000  }
0x3: {  	_ = 	snop  }
0x4: {  	_ = 	snop  }
0x5: {  	_ = 	snop  }
0x6: {  	_ = 	snop  }
0x7: {  	_ = 	snop  }
__scs_overlays_trampoline_lowered:
0x8: {  	[smem:$0x3FAE] =	sst s0  }
0x9: {  	[smem:$0x3FAF] =	sst s1  }
0xa: {  	[smem:$0x3FB0] =	sst s2  }
0xb: {  	[smem:$0x3FB1] =	sst s3  }
0xc: {  	[smem:$0x3FB2] =	sst s4  }
0xd: {  	[smem:$0x3FB3] =	sst s5  }
0xe: {  	[smem:$0x3FB4] =	sst s6  }
0xf: {  	[smem:$0x3FB5] =	sst s7  }
0x10: {  	[smem:$0x3FB6] =	sst s8  }
0x11: {  	[smem:$0x3FB7] =	sst s9;
	s0 =	simm.s32 @!p0 $0x0  }
0x12: {  	s1 =	sld [smem:$0x3F9D];
	s0 =	simm.s32 @p0 $0x1  }
0x13: {  	[smem:$0x3FB8] =	sst s0;
	s0 =	simm.s32 @!p1 $0x0  }
0x14: {  	s2 =	sld [smem:$0x3F9C];
	s0 =	simm.s32 @p1 $0x1  }
0x15: {  	[smem:$0x3FB9] =	sst s0;
	s0 =	simm.s32 @!p2 $0x0  }
0x16: {  	s3 =	sld [smem:$0x3FDB];
	s0 =	simm.s32 @p2 $0x1  }
0x17: {  	s4 =	simm.s32 $0x1BF5;
	[smem:$0x3FBB] =	sst s0  }
0x18: {  	s0 =	sld [smem:$0x3F9E];
	_ =	swait.ge [sflag:s4], $0x0  }
0x19: {  	s7 =	sld [smem:$0x3F9F]  }
0x1a: {  	s8 =	sadd.s32 $0xFFFFE003, lr  }
0x1b: {  	s9 =	sadd.s32 $0xFFFFFEF7, lr;
	s5 =	simm.s32 $0xFFFFFFFF;
	p2 =	slt.u32 s8, $0xFFFFF086  }
0x1c: {  	p1 =	slt.u32 s9, $0xF7A;
	s5 =	simm.s32 @!p2 $0x0  }
0x1d: {  	s5 =	simm.s32 @p1 $0x1;
	p0 =	seq.s32 s7, s2  }
0x1e: {  	s7 =	smul.u32 @!p0 $0xF7A, s2;
	p2 =	seq.s32 @!p0 s5, $0x0  }
0x1f: {  	s9 =	smul.u32 $0xF7A, s1;
	s8 =	simm.s32 @!p0 $0x1BF5;
	p2 =	por !p2, p0  }
0x20: {  	[sflag:s8] =	ssyncset.s32 @!p0 $0xFFFFF086;
	s6 =	sadd.s32 @!p0 s3, s7;
	s7 =	simm.s32 @!p0 $0x108  }
0x21: {  	s3 =	sadd.s32 s3, s9;
	s6 =	sadd.s32 @!p0 $0x88, s6;
	s7 =	simm.s32 @p2 $0x1082  }
0x22: {  	[simem:s7], [sflag:s8] =	dma.local @!p0 [hbm:s6], $0xF7A  }
0x23: {  	s9 =	sor.u32 $0xD0000000, s2;
	s6 =	simm.s32 $0x108;
	_ =	swait.ge @!p0 [sflag:s8], $0x0  }
0x24: {  	s3 =	sadd.s32 $0x88, s3;
	s6 =	simm.s32 @!p1 $0x1082;
	[sflag:s4] =	ssyncset.s32 $0xFFFFF086  }
0x25: {  	[simem:s6], [sflag:s4] =	dma.local [hbm:s3], $0xF7A  }
0x26: {  	[smem:$0x3F9F] =	sst s1;
	(tag) =	ssettag s2;
	_ =	strace s9  }
0x27: {  	s1 =	sld [smem:$0x3FAF]  }
0x28: {  	s2 =	sld [smem:$0x3FB0]  }
0x29: {  	s4 =	sld [smem:$0x3FB2]  }
0x2a: {  	p0 =	seq.s32 s5, $0x0;
	s5 =	sld [smem:$0x3FB3]  }
0x2b: {  	s6 =	sld [smem:$0x3FB4]  }
0x2c: {  	s7 =	sld [smem:$0x3FB5]  }
0x2d: {  	s3 =	simm.s32 $0x108;
	s8 =	sld [smem:$0x3FB6]  }
0x2e: {  	s3 =	simm.s32 @!p0 $0x1082;
	s9 =	sld [smem:$0x3FB7]  }
0x2f: {  	lr =	sadd.s32 s0, s3;
	s0 =	sld [smem:$0x3FAE]  }
0x30: {  	s3 =	sld [smem:$0x3FB1]  }
0x31: {  	[smem:$0x3FBA] =	sst s10  }
0x32: {  	s10 =	sld [smem:$0x3FB8];
	_ =	sdelay $0x3  }
0x33: {  	p0 =	seq.s32 s10, $0x1;
	s10 =	sld [smem:$0x3FBA];
	_ =	sdelay $0x3  }
0x34: {  	[smem:$0x3FBA] =	sst s10  }
0x35: {  	s10 =	sld [smem:$0x3FB9];
	_ =	sdelay $0x3  }
0x36: {  	p1 =	seq.s32 s10, $0x1;
	s10 =	sld [smem:$0x3FBA];
	_ =	sdelay $0x3  }
0x37: {  	[smem:$0x3FBA] =	sst s10  }
0x38: {  	s10 =	sld [smem:$0x3FBB]  }
0x39: {  	_ = 	snop;
	(pc) =	sbr.ind lr, $3  }
0x3a: {  	_ = 	snop  }
0x3b: {  	_ = 	snop  }
0x3c: {  	p2 =	seq.s32 s10, $0x1;
	s10 =	sld [smem:$0x3FBA]  }
0x3d: {  	_ =	shalt  }
0x3e: {  	_ =	shalt  }
0x3f: {  	_ =	shalt  }
0x40: {  	_ =	shalt  }
0x41: {  	_ =	shalt  }
0x42: {  	_ =	shalt  }
0x43: {  	_ =	shalt  }
0x44: {  	_ =	shalt  }
0x45: {  	_ =	shalt  }
0x46: {  	_ =	shalt  }
0x47: {  	_ =	shalt  }
0x48: {  	_ =	shalt  }
0x49: {  	_ =	shalt  }
0x4a: {  	_ =	shalt  }
0x4b: {  	_ =	shalt  }
0x4c: {  	_ =	shalt  }
0x4d: {  	_ =	shalt  }
0x4e: {  	_ =	shalt  }
0x4f: {  	_ =	shalt  }
0x50: {  	_ =	shalt  }
0x51: {  	_ =	shalt  }
0x52: {  	_ =	shalt  }
0x53: {  	_ =	shalt  }
0x54: {  	_ =	shalt  }
0x55: {  	_ =	shalt  }
0x56: {  	_ =	shalt  }
0x57: {  	_ =	shalt  }
0x58: {  	_ =	shalt  }
0x59: {  	_ =	shalt  }
0x5a: {  	_ =	shalt  }
0x5b: {  	_ =	shalt  }
0x5c: {  	_ =	shalt  }
0x5d: {  	_ =	shalt  }
0x5e: {  	_ =	shalt  }
0x5f: {  	_ =	shalt  }
0x60: {  	_ =	shalt  }
0x61: {  	_ =	shalt  }
0x62: {  	_ =	shalt  }
0x63: {  	_ =	shalt  }
0x64: {  	_ =	shalt  }
0x65: {  	_ =	shalt  }
0x66: {  	_ =	shalt  }
0x67: {  	_ =	shalt  }
0x68: {  	_ =	shalt  }
0x69: {  	_ =	shalt  }
0x6a: {  	_ =	shalt  }
0x6b: {  	_ =	shalt  }
0x6c: {  	_ =	shalt  }
0x6d: {  	_ =	shalt  }
0x6e: {  	_ =	shalt  }
0x6f: {  	_ =	shalt  }
0x70: {  	_ =	shalt  }
0x71: {  	_ =	shalt  }
0x72: {  	_ =	shalt  }
0x73: {  	_ =	shalt  }
0x74: {  	_ =	shalt  }
0x75: {  	_ =	shalt  }
0x76: {  	_ =	shalt  }
0x77: {  	_ =	shalt  }
0x78: {  	_ =	shalt  }
0x79: {  	_ =	shalt  }
0x7a: {  	_ =	shalt  }
0x7b: {  	_ =	shalt  }
0x7c: {  	_ =	shalt  }
0x7d: {  	_ =	shalt  }
0x7e: {  	_ =	shalt  }
0x7f: {  	_ =	shalt  }
0x80: {  	_ =	shalt  }
0x81: {  	_ =	shalt  }
0x82: {  	_ =	shalt  }
0x83: {  	_ =	shalt  }
0x84: {  	_ =	shalt  }
0x85: {  	_ =	shalt  }
0x86: {  	_ =	shalt  }
0x87: {  	_ =	shalt  }
.Lfunc_end0:
.L_simem_size_0:
called_computation_lowered:
.L_overlay_start_0:
0x88: {  	s2 =	sld [smem:$0x3FD9]  }
0x89: {  	s3 =	sld [smem:$0x3FFE];
	_ =	sdelay $0x1  }
0x8a: {  	s1 =	srdreg.scid  }
0x8b: {  	s0 =	sand.u32 $0x1, s1  }
0x8c: {  	s17 =	sshll.u32 s0, $0xA;
	s2 =	sadd.s32 s3, s2  }
0x8d: {  	s2 =	sadd.s32 s2, s17  }
0x8e: {  	[smem:$0x3FC6] =	sst s2  }
0x8f: {  	_ = 	snop  }
0x90: {  	s2 =	sld [smem:$0x3FD0];
	(tm) =	ssettm $0x1  }
0x91: {  	s18 =	sld [smem:$0x3FFB];
	_ =	sdelay $0x3  }
0x92: {  	_ =	strace s18  }
0x93: {  	s3 =	sld [smem:$0x3FFC];
	_ =	sdelay $0x3  }
0x94: {  	_ =	strace s3  }
0x95: {  	s3 =	sld [smem:$0x3FFD];
	_ =	sdelay $0x3  }
0x96: {  	_ =	strace s3  }
0x97: {  	_ =	strace $0x8FFFFFFF  }
0x98: {  	s19 =	sld [smem:$0x3FDB];
	_ =	sdelay $0x1  }
0x99: {  	s4 =	simm.s32 $_scs_section_size  }
0x9a: {  	s5 =	simm.s32 $_size__tile_overlayer_lowered;
	s6 =	simm.s32 $_tile_overlayer_lowered  }
0x9b: {  	s22 =	simm.s32 $0x1BFF;
	s21 =	sshll.u32 s6, $0x1;
	s3 =	sadd.s32 s4, s19  }
0x9c: {  	s7 =	simm.s32 $0x0;
	s20 =	sshll.u32 s5, $0x1;
	s5 =	sadd.s32 s21, s3  }
0x9d: {  	[timem:s7], [sflag:s22] =	dma.local [hbm:s5], s20  }
0x9e: {  	_ =	swait.ge [sflag:s22], s20  }
0x9f: {  	s4 =	ssub.s32 $0x0, s20;
	[sflag:s22] =	ssyncset.done $0x0  }
0xa0: {  	[sflag:s22] =	ssyncadd.s32 s4;
	_ =	sdelay $0x1  }
0xa1: {  	s23 =	simm.s32 $0x1B8B  }
0xa2: {  	_ =	swait.ge [sflag:s23], $0x1  }
0xa3: {  	[sflag:s23] =	ssyncset.done $0x0  }
0xa4: {  	s25 =	simm.s32 $0x1B8E;
	s24 =	sld [smem:$0x3FFE];
	[sflag:s23] =	ssyncadd.s32 $0xFFFFFFFF  }
0xa5: {  	s26 =	simm.s32 $execute0_lowered;
	[smem:$0x3FD2] =	sst s25  }
0xa6: {  	s5 =	sshll.u32 s26, $0x1;
	_ =	strace $0x80000046;
	[dreg:$0x1] =	wrdreg $0xFFFFFFFF  }
0xa7: {  	s28 =	simm.s32 $_size_execute0_lowered;
	s3 =	sadd.s32 s3, s5;
	[dreg:$0x0] =	wrdreg $0x0  }
0xa8: {  	s5 =	sshll.u32 s28, $0x1;
	[dreg:$0x2] =	wrdreg s3  }
0xa9: {  	[dreg:$0x3] =	wrdreg s5  }
0xaa: {  	[dreg:$0x4] =	wrdreg $0xC0  }
0xab: {  	_ =	task [dreg:s7], $0x5FFFF  }
0xac: {  	[dreg:$0x1] =	wrdreg $0xFFFFFFFF  }
0xad: {  	[dreg:$0x0] =	wrdreg $0x60  }
0xae: {  	[dreg:$0x2] =	wrdreg s24  }
0xaf: {  	[dreg:$0x3] =	wrdreg s2  }
0xb0: {  	[dreg:$0x4] =	wrdreg $0x9  }
0xb1: {  	_ =	task.clear_ibuf [dreg:s7], $0x5FFFF;
	_ =	strace $0x90000046  }
0xb2: {  	s29 =	simm.s32 $0x9;
	_ =	strace $0x80000048  }
0xb3: {  	_ =	swait.ge [sflag:s29], $0x1  }
0xb4: {  	[sflag:s29] =	ssyncadd.s32 $0xFFFFFFFF  }
0xb5: {  	_ =	strace $0x90000048  }
0xb6: {  	_ =	sfence  }
0xb7: {  	s30 =	sld [smem:$0x0];
	_ =	sdelay $0x2  }
0xb8: {  	s31 =	sshll.u32 s1, $0xD;
	s1 =	sshrl.u32 s1, $0x2  }
0xb9: {  	s3 =	sand.u32 $0x4000, s31;
	s1 =	sadd.s32 s1, s30  }
0xba: {  	s0 =	sor.u32 s3, s0;
	s1 =	sshll.u32 s1, $0x11  }
0xbb: {  	s0 =	sor.u32 s1, s0  }
0xbc: {  	s0 =	sadd.s32 $0x8F2B, s0  }
0xbd: {  	[sflag:s0] =	ssyncadd.remote.s32 $0x1  }
0xbe: {  	_ =	sfence.sel $0xFFFF  }
0xbf: {  	[dreg:$0x0] =	wrdreg $0xFFFFFFFF;
	(pc) =	sbr.abs _section_cstart, $3  }
0xc0: {  	[dreg:$0x1] =	wrdreg $0xFFFFFFFF  }
0xc1: {  	_ =	task.clear_ibuf [dreg:s7], $0x2FFFF;
	_ =	strace $0x9FFFFFFF  }
0xc2: {  	(tm) =	ssettm $0x7FFFFFFF  }
0xc3: {  	_ =	shalt  }
tec
execute0_lowered:
.L_overlay_start_1:
0x0: {  	(tag) =	ssettag $0x1  }
0x1: {  	s1 =	srdreg.scid  }
0x2: {  	s0 =	stileid.u32;
	s5 =	rddreg [dreg:$0x0]  }
0x3: {  	s6 =	simm.s32 $0x1;
	s8 =	sand.u32 $0x1, s1;
	s31 =	sshll.u32 s0, $0x1  }
0x4: {  	s2 =	rddreg [dreg:$0x1];
	s3 =	simm.s32 $0x0;
	s4 =	sor.u32 s8, s31  }
0x5: {  	s12 =	simm.s32 $0x16000;
	p1 =	seq.s32 s8, $0x1;
	p0 =	seq.s32 s4, $0x0  }
0x6: {  	v30 =	vlaneseq.u32;
	s13 =	simm.s32 $0x400;
	s14 =	simm.s32 $0x2000;
	p0 =	por !p0, !p1  }
0x7: {  	s15 =	simm.s32 $0x18000;
	[smem:$0x7FF] =	sst s3;
	v17 =	vor.u32 $0x40, v30;
	p0 =	por !p0, !p0  }
0x8: {  	s1 =	rddreg [dreg:$0x2];
	v46 =	vor.u32 $0x50, v30;
	_ =	strace $0x80000047;
	[tilespmem:$0x1FF90] =	vst v17;
	s6 =	simm.s32 @!p0 $0x0  }
0x9: {  	s16 =	simm.s32 $0x2;
	s17 =	simm.s32 $0x0;
	v0 =	vor.u32 $0x70, v30;
	[tilespmem:$0x1FFA0] =	vst v46;
	s6 =	ssub.s32 s0, s6  }
0xa: {  	v6 =	vor.u32 $0x60, v30;
	s10 =	ssub.s32 $0x2, s8;
	s8 =	sshll.u32 s8, $0x2;
	[tilespmem:$0x1FFB0] =	vst v0;
	s7 =	smul.u32 $0xFC00, s6  }
0xb: {  	v3 =	vor.u32 $0x20, v30;
	[tilespmem:$0x1FFC0] =	vst v6;
	s9 =	smul.u32 $0xC80, s4;
	s4 =	simm.s32 $0x1;
	s11 =	sshrl.u32 s10, $0x1  }
0xc: {  	v2 =	vor.u32 $0x10, v30;
	[tilespmem:$0x1FFD0] =	vst v3;
	s10 =	ssub.s32 s10, s11;
	s11 =	simm.s32 $0xFC00;
	s7 =	sshrl.u32 s7, $0x3  }
0xd: {  	v24 =	vmul.u32 $0xFFFFFFFF, v30;
	v4 =	vor.u32 $0x30, v30;
	[tilespmem:$0x1FFE0] =	vst v2;
	p0 =	seq.s32 s6, $0xF;
	s6 =	sshll.u32 s6, $0x10;
	s7 =	sadd.s32 s7, s5  }
0xe: {  	[tilespmem:$0x1FFF0] =	vst v4;
	s9 =	sadd.s32 s9, s5;
	s6 =	simm.s32 @p0 $0xEA000;
	s5 =	sadd.s32 $0x800, s7  }
0xf: {  	[tilespmem:$0x1FF80] =	vst v24;
	s7 =	sadd.s32 $0x20000, s9;
	s9 =	smax.u32 s10, $0x1;
	s10 =	simm.s32 $0x3  }
.LBB2_1:
0x10: {  	[tilespmem:s3], [sflag:$0x3] =	stream.linear.gather [hbm4b:s5+s3], $0xFA00, $0x38;
	[tilespmem:$0x1A000] =	vst v63  }
0x11: {  	_ =	swait.ge [sflag:s10], $0xFA00  }
0x12: {  	[sflag:s10] =	ssyncset.done $0x0  }
0x13: {  	[sflag:s10] =	ssyncadd.s32 $0xFFFF0600  }
0x14: {  	[tilespmem:s11], [sflag:$0x3] =	stream.linear.gather [hbm4b:s7+s3], $0x6400, $0x38;
	[tilespmem:$0x1A000] =	vst v63  }
0x15: {  	_ =	swait.ge [sflag:s10], $0x6400  }
0x16: {  	[sflag:s10] =	ssyncset.done $0x0  }
0x17: {  	s18 =	simm.s32 $0x0;
	[sflag:s10] =	ssyncadd.s32 $0xFFFF9C00  }
.LBB2_2:
0x18: {  	p0 =	seq.s32 s18, $0x0  }
0x19: {  	s19 =	simm.s32 @!p0 $0x1  }
0x1a: {  	_ =	swait.ge @!p0 [sflag:s19], $0x2000  }
0x1b: {  	s20 =	sshll.u32 s18, $0x8;
	[sflag:s19] =	ssyncset.done @!p0 $0x0  }
0x1c: {  	s24 =	sand.u32 $0x3FFFFF00, s20;
	[sflag:s19] =	ssyncadd.s32 @!p0 $0xFFFFE000  }
0x1d: {  	v0 =	vld [tilespmem:s24+$0xFC00];
	_ =	sdelay $0x1  }
0x1e: {  	s25 =	simm.s32 $0x0;
	s26 =	simm.s32 $0x1;
	s21 =	simm.s32 $0x7  }
0x1f: {  	s22 =	simm.s32 $0x5;
	s28 =	simm.s32 $0x2;
	s29 =	simm.s32 $0x4;
	v54 =	vadd.s32 s25, v24;
	v55 =	vadd.s32 s26, v24;
	v14 =	vadd.s32 s21, v24  }
0x20: {  	s31 =	simm.s32 $0x3;
	v56 =	vadd.s32 s28, v24;
	v15 =	vadd.s32 s22, v24;
	v19 =	vadd.s32 s29, v24;
	v10 =	vld [tilespmem:s24+$0xFC10]  }
0x21: {  	v20 =	vadd.s32 s31, v24;
	v18 =	vand.u32 $0x3F, v55;
	v13 =	vld [tilespmem:s24+$0xFC40];
	v5 =	vshll.u32 v0, $0x6  }
0x22: {  	v53 =	vand.u32 $0x3F, v54;
	v11 =	vld [tilespmem:s24+$0xFC20];
	v0 =	vand.u32 $0x3F, v56;
	v16 =	vor.u32 v18, v5  }
0x23: {  	v52 =	vand.u32 $0x3F, v19;
	v19 =	vand.u32 $0x3F, v20;
	v28 =	vor.u32 v0, v5  }
0x24: {  	v1 =	vand.u32 $0x3F, v14;
	v21 =	vand.u32 $0x3F, v15;
	v14 =	vshll.u32 v19, $0x7;
	v12 =	vld [tilespmem:s24+$0xFC30]  }
0x25: {  	v57 =	vor.u32 v2, v14;
	v37 =	vld [tilespmem:s24+$0xFC50];
	v7 =	vshll.u32 v10, $0x6;
	v32 =	vor.u32 v53, v5  }
0x26: {  	v39 =	vld [tilespmem:s24+$0xFC60];
	v10 =	vshll.u32 v13, $0x6;
	v13 =	vshll.u32 v18, $0x7;
	v29 =	vor.u32 v52, v5  }
0x27: {  	v8 =	vshll.u32 v11, $0x6;
	v34 =	vor.u32 v21, v5;
	v36 =	vor.u32 v30, v13;
	v33 =	vld.idx.msk [tilespmem:v16+s3+$0x0], $0xffff;
	[tilespmem:$0x1FE00] =	vst v5  }
0x28: {  	v38 =	vor.u32 v1, v5;
	v26 =	vshll.u32 v0, $0x7;
	v58 =	vor.u32 v19, v8;
	v28 =	vld.idx.msk [tilespmem:v28+s3+$0x0], $0xffff;
	[tilespmem:$0x1FE10] =	vst v57  }
0x29: {  	s30 =	simm.s32 $0x6;
	v42 =	vld [tilespmem:s24+$0xFC70];
	v40 =	vor.u32 v30, v26;
	v16 =	vshll.u32 v53, $0x7;
	[tilespmem:$0x1FE20] =	vst v58  }
0x2a: {  	v22 =	vadd.s32 s30, v24;
	v15 =	vshll.u32 v52, $0x7;
	v43 =	vor.u32 v30, v16;
	v32 =	vld.idx.msk [tilespmem:v32+s3+$0x0], $0xffff  }
0x2b: {  	v22 =	vand.u32 $0x3F, v22;
	v45 =	vor.u32 v30, v15;
	v11 =	vshll.u32 v21, $0x7;
	v29 =	vld.idx.msk [tilespmem:v29+s3+$0x0], $0xffff  }
0x2c: {  	v27 =	vshll.u32 v1, $0x7;
	v35 =	vor.u32 v22, v5;
	v59 =	vor.u32 v30, v11;
	v34 =	vld.idx.msk [tilespmem:v34+s3+$0x0], $0xffff  }
0x2d: {  	v46 =	vor.u32 v30, v27;
	v23 =	vor.u32 v18, v7;
	v38 =	vld.idx.msk [tilespmem:v38+s3+$0x0], $0xffff;
	[tilespmem:v36+s12+$0x0] =	vst.idx.msk $0xffff, v33  }
0x2e: {  	v48 =	vor.u32 v52, v7;
	[tilespmem:v40+s12+$0x0] =	vst.idx.msk $0xffff, v28  }
0x2f: {  	v47 =	vor.u32 v1, v7;
	[tilespmem:v43+s12+$0x0] =	vst.idx.msk $0xffff, v32  }
0x30: {  	v20 =	vshll.u32 v22, $0x7;
	v44 =	vor.u32 v53, v7;
	[tilespmem:v45+s12+$0x0] =	vst.idx.msk $0xffff, v29  }
0x31: {  	v41 =	vor.u32 v0, v7;
	v35 =	vld.idx.msk [tilespmem:v35+s3+$0x0], $0xffff;
	v33 =	vor.u32 v30, v20;
	[tilespmem:v59+s12+$0x0] =	vst.idx.msk $0xffff, v34  }
0x32: {  	v54 =	vor.u32 v3, v14;
	v60 =	vor.u32 v2, v13;
	v23 =	vld.idx.msk [tilespmem:v23+s3+$0x0], $0xffff;
	[tilespmem:v46+s12+$0x0] =	vst.idx.msk $0xffff, v38  }
0x33: {  	v61 =	vor.u32 v2, v15;
	v62 =	vld.idx.msk [tilespmem:v48+s3+$0x0], $0xffff;
	[tilespmem:$0x1FE30] =	vst v54  }
0x34: {  	v40 =	vor.u32 v22, v7;
	v29 =	vor.u32 v2, v27;
	v47 =	vld.idx.msk [tilespmem:v47+s3+$0x0], $0xffff  }
0x35: {  	v25 =	vshll.u32 v39, $0x6;
	v63 =	vor.u32 v52, v8;
	v39 =	vor.u32 v2, v16;
	v44 =	vld.idx.msk [tilespmem:v44+s3+$0x0], $0xffff  }
0x36: {  	v55 =	vor.u32 v21, v7;
	v51 =	vor.u32 v2, v26;
	v41 =	vld.idx.msk [tilespmem:v41+s3+$0x0], $0xffff;
	[tilespmem:v33+s12+$0x0] =	vst.idx.msk $0xffff, v35  }
0x37: {  	v32 =	vor.u32 v53, v8;
	[tilespmem:v60+s12+$0x0] =	vst.idx.msk $0xffff, v23  }
0x38: {  	[tilespmem:v61+s12+$0x0] =	vst.idx.msk $0xffff, v62  }
0x39: {  	v40 =	vld.idx.msk [tilespmem:v40+s3+$0x0], $0xffff;
	[tilespmem:v29+s12+$0x0] =	vst.idx.msk $0xffff, v47  }
0x3a: {  	v31 =	vor.u32 v19, v5;
	v33 =	vld.idx.msk [tilespmem:v63+s3+$0x0], $0xffff;
	[tilespmem:v39+s12+$0x0] =	vst.idx.msk $0xffff, v44  }
0x3b: {  	v5 =	vshll.u32 v42, $0x6;
	v47 =	vld.idx.msk [tilespmem:v55+s3+$0x0], $0xffff;
	[tilespmem:v51+s12+$0x0] =	vst.idx.msk $0xffff, v41;
	v55 =	vor.u32 v18, v25  }
0x3c: {  	v58 =	vor.u32 v3, v15;
	v60 =	vor.u32 v0, v5;
	v32 =	vld.idx.msk [tilespmem:v32+s3+$0x0], $0xffff;
	[tilespmem:$0x1FE40] =	vst v55  }
0x3d: {  	v61 =	vor.u32 v21, v25;
	[tilespmem:$0x1FE50] =	vst v60  }
0x3e: {  	v9 =	vshll.u32 v12, $0x6;
	v50 =	vor.u32 v18, v8;
	v62 =	vor.u32 v19, v25;
	[tilespmem:$0x1FE60] =	vst v61  }
0x3f: {  	v12 =	vor.u32 v0, v8;
	v45 =	vor.u32 v1, v8;
	v38 =	vor.u32 v2, v20;
	[tilespmem:$0x1FE70] =	vst v62  }
0x40: {  	v46 =	vor.u32 v22, v8;
	v48 =	vor.u32 v2, v11;
	v29 =	vor.u32 v52, v9;
	[tilespmem:$0x1FE80] =	vst v8  }
0x41: {  	v2 =	vshll.u32 v37, $0x6;
	v37 =	vor.u32 v21, v8;
	v8 =	vor.u32 v52, v25;
	[tilespmem:v58+s12+$0x0] =	vst.idx.msk $0xffff, v33  }
0x42: {  	[tilespmem:$0x1FE90] =	vst v8  }
0x43: {  	[tilespmem:$0x1FEA0] =	vst v5;
	v5 =	vor.u32 v1, v5  }
0x44: {  	[tilespmem:$0x1FEB0] =	vst v5  }
0x45: {  	v58 =	vor.u32 v6, v26;
	v29 =	vld.idx.msk [tilespmem:v29+s3+$0x0], $0xffff;
	[tilespmem:v38+s12+$0x0] =	vst.idx.msk $0xffff, v40  }
0x46: {  	v38 =	vld.idx.msk [tilespmem:v50+s3+$0x0], $0xffff;
	[tilespmem:$0x1FEC0] =	vst v58  }
0x47: {  	[tilespmem:v48+s12+$0x0] =	vst.idx.msk $0xffff, v47  }
0x48: {  	v57 =	vor.u32 v3, v16;
	v5 =	vld [tilespmem:$0x1FFA0];
	_ =	sdelay $0x2  }
0x49: {  	v63 =	vor.u32 v53, v9;
	v47 =	vmov v18;
	v18 =	vor.u32 v19, v2  }
0x4a: {  	v40 =	vld.idx.msk [tilespmem:v46+s3+$0x0], $0xffff;
	[tilespmem:$0x1FED0] =	vst v18  }
0x4b: {  	[tilespmem:v57+s12+$0x0] =	vst.idx.msk $0xffff, v32;
	v18 =	vor.u32 v5, v13  }
0x4c: {  	[tilespmem:$0x1FEE0] =	vst v18;
	v18 =	vor.u32 v6, v27  }
0x4d: {  	[tilespmem:$0x1FEF0] =	vst v18  }
0x4e: {  	v51 =	vor.u32 v4, v15;
	v18 =	vor.u32 v17, v14;
	v32 =	vld.idx.msk [tilespmem:v63+s3+$0x0], $0xffff  }
0x4f: {  	v43 =	vor.u32 v3, v13;
	v61 =	vld.idx.msk [tilespmem:v45+s3+$0x0], $0xffff;
	[tilespmem:$0x1FF00] =	vst v18;
	v18 =	vor.u32 v5, v26  }
0x50: {  	v34 =	vor.u32 v3, v20;
	v60 =	vor.u32 v52, v10;
	[tilespmem:$0x1FF10] =	vst v18  }
0x51: {  	v36 =	vor.u32 v22, v9;
	v59 =	vor.u32 v4, v16;
	v63 =	vld.idx.msk [tilespmem:v12+s3+$0x0], $0xffff;
	v12 =	vor.u32 v21, v10  }
0x52: {  	v49 =	vor.u32 v30, v14;
	v56 =	vor.u32 v0, v9;
	v42 =	vor.u32 v3, v27;
	[tilespmem:$0x1FF20] =	vst v12  }
0x53: {  	v54 =	vor.u32 v3, v26;
	v62 =	vor.u32 v47, v9;
	[tilespmem:v51+s12+$0x0] =	vst.idx.msk $0xffff, v29  }
0x54: {  	v28 =	vor.u32 v17, v27;
	v33 =	vld.idx.msk [tilespmem:v37+s3+$0x0], $0xffff;
	[tilespmem:v43+s12+$0x0] =	vst.idx.msk $0xffff, v38;
	v37 =	vor.u32 v3, v11  }
0x55: {  	v48 =	vor.u32 v17, v15;
	v29 =	vor.u32 v53, v10;
	[tilespmem:v34+s12+$0x0] =	vst.idx.msk $0xffff, v40;
	v34 =	vld.idx.msk [tilespmem:v60+s3+$0x0], $0xffff  }
0x56: {  	v50 =	vor.u32 v1, v9;
	v3 =	vor.u32 v4, v20;
	v36 =	vld.idx.msk [tilespmem:v36+s3+$0x0], $0xffff;
	[tilespmem:v59+s12+$0x0] =	vst.idx.msk $0xffff, v32  }
0x57: {  	v35 =	vor.u32 v4, v26;
	v23 =	vmov v52;
	v39 =	vor.u32 v21, v9;
	[tilespmem:v42+s12+$0x0] =	vst.idx.msk $0xffff, v61  }
0x58: {  	v55 =	vor.u32 v21, v2;
	v43 =	vor.u32 v4, v13;
	v41 =	vld.idx.msk [tilespmem:v62+s3+$0x0], $0xffff;
	[tilespmem:v54+s12+$0x0] =	vst.idx.msk $0xffff, v63  }
0x59: {  	v52 =	vor.u32 v22, v25;
	v8 =	vor.u32 v0, v25;
	v44 =	vld.idx.msk [tilespmem:v31+s3+$0x0], $0xffff;
	[tilespmem:v37+s12+$0x0] =	vst.idx.msk $0xffff, v33  }
0x5a: {  	v58 =	vor.u32 v17, v13;
	v42 =	vor.u32 v17, v16;
	v29 =	vld.idx.msk [tilespmem:v29+s3+$0x0], $0xffff;
	[tilespmem:v48+s12+$0x0] =	vst.idx.msk $0xffff, v34  }
0x5b: {  	v46 =	vor.u32 v47, v10;
	v45 =	vor.u32 v22, v10;
	v50 =	vld.idx.msk [tilespmem:v50+s3+$0x0], $0xffff;
	[tilespmem:v3+s12+$0x0] =	vst.idx.msk $0xffff, v36  }
0x5c: {  	v51 =	vor.u32 v19, v10;
	v40 =	vor.u32 v19, v9;
	v34 =	vld.idx.msk [tilespmem:v56+s3+$0x0], $0xffff;
	[tilespmem:$0x1FF30] =	vst v7  }
0x5d: {  	v59 =	vor.u32 v4, v14;
	v61 =	vor.u32 v4, v11;
	[tilespmem:v43+s12+$0x0] =	vst.idx.msk $0xffff, v41  }
0x5e: {  	v60 =	vor.u32 v53, v25;
	v62 =	vor.u32 v6, v16;
	v54 =	vor.u32 v53, v2;
	[tilespmem:$0x1FF40] =	vst v25  }
0x5f: {  	v48 =	vor.u32 v4, v27;
	v3 =	vor.u32 v19, v7;
	[tilespmem:v42+s12+$0x0] =	vst.idx.msk $0xffff, v29  }
0x60: {  	v32 =	vor.u32 v5, v20;
	v4 =	vor.u32 v1, v10;
	v31 =	vld.idx.msk [tilespmem:v39+s3+$0x0], $0xffff;
	[tilespmem:$0x1FF50] =	vst v9  }
0x61: {  	v63 =	vor.u32 v1, v25;
	v33 =	vor.u32 v0, v2;
	v57 =	vld.idx.msk [tilespmem:v45+s3+$0x0], $0xffff;
	[tilespmem:v49+s12+$0x0] =	vst.idx.msk $0xffff, v44  }
0x62: {  	v37 =	vor.u32 v47, v2;
	v56 =	vor.u32 v23, v2;
	v38 =	vld.idx.msk [tilespmem:v46+s3+$0x0], $0xffff;
	[tilespmem:$0x1FF60] =	vst v10  }
0x63: {  	v41 =	vor.u32 v17, v26;
	v39 =	vor.u32 v5, v27;
	v29 =	vor.u32 v1, v2;
	v54 =	vld.idx.msk [tilespmem:v54+s3+$0x0], $0xffff  }
0x64: {  	v42 =	vor.u32 v5, v16;
	v44 =	vor.u32 v0, v10;
	[tilespmem:v48+s12+$0x0] =	vst.idx.msk $0xffff, v50;
	v43 =	vld.idx.msk [tilespmem:v3+s3+$0x0], $0xffff  }
0x65: {  	s20 =	sshll.u32 s18, $0x1;
	s21 =	simm.s32 $0x8;
	v45 =	vor.u32 v17, v20;
	v49 =	vor.u32 v22, v2;
	v10 =	vmov v14;
	v36 =	vld.idx.msk [tilespmem:v4+s3+$0x0], $0xffff;
	[tilespmem:$0x1FF70] =	vst v2  }
.LBB2_3:
0x66: {  	_ =	sdelay $0x3  }
0x67: {  	[tilespmem:v35+s12+$0x0] =	vst.idx.msk $0xffff, v34;
	v35 =	vld [tilespmem:$0x1FE00]  }
0x68: {  	s19 =	sadd.s32 $0x1, s21;
	s24 =	smov.u32 s21;
	v48 =	vld [tilespmem:$0x1FE10]  }
0x69: {  	v3 =	vmov v19;
	s25 =	sadd.s32 $0x2, s24;
	v19 =	vadd.s32 s19, v24  }
0x6a: {  	[tilespmem:v45+s12+$0x0] =	vst.idx.msk $0xffff, v57;
	v25 =	vld.idx.msk [tilespmem:v44+s3+$0x0], $0xffff;
	v57 =	vand.u32 $0x3F, v19;
	v19 =	vadd.s32 s25, v24  }
0x6b: {  	v5 =	vld.idx.msk [tilespmem:v49+s3+$0x0], $0xffff;
	v49 =	vand.u32 $0x3F, v19  }
0x6c: {  	v18 =	vld.idx.msk [tilespmem:v56+s3+$0x0], $0xffff;
	v4 =	vmov v26;
	v26 =	vor.u32 v49, v35  }
0x6d: {  	v0 =	vld [tilespmem:$0x1FFA0];
	v50 =	vadd.s32 s21, v24  }
0x6e: {  	v56 =	vand.u32 $0x3F, v50;
	v50 =	vld [tilespmem:$0x1FE20]  }
0x6f: {  	[tilespmem:v41+s12+$0x0] =	vst.idx.msk $0xffff, v25  }
0x70: {  	[tilespmem:v48+s12+$0x0] =	vst.idx.msk $0xffff, v43;
	v48 =	vld.idx.msk [tilespmem:v33+s3+$0x0], $0xffff  }
0x71: {  	v33 =	vld.idx.msk [tilespmem:v26+s3+$0x0], $0xffff;
	v26 =	vshll.u32 v49, $0x7  }
0x72: {  	s23 =	sadd.s32 $0x7, s21;
	v46 =	vor.u32 v0, v15;
	v0 =	vmov v13;
	v13 =	vld [tilespmem:$0x1FFE0];
	[tilespmem:v32+s12+$0x0] =	vst.idx.msk $0xffff, v5;
	v32 =	vor.u32 v30, v26  }
0x73: {  	[tilespmem:$0x1FD40] =	vst v47;
	v2 =	vmov v21;
	s26 =	sadd.s32 $0x6, s24;
	s30 =	sadd.s32 $0x3, s24;
	s31 =	sadd.s32 $0x4, s24;
	v34 =	vmov v20;
	v20 =	vadd.s32 s23, v24;
	v5 =	vld [tilespmem:$0x1FE30]  }
0x74: {  	v1 =	vmovc v22;
	v12 =	vmovc v27;
	v14 =	vld [tilespmem:$0x1FF30];
	[tilespmem:$0x1FD50] =	vst v2;
	v22 =	vadd.s32 s30, v24;
	v27 =	vadd.s32 s26, v24;
	v19 =	vadd.s32 s31, v24  }
0x75: {  	v9 =	vmovc v10;
	v10 =	vld [tilespmem:$0x1FE80];
	[tilespmem:v42+s12+$0x0] =	vst.idx.msk $0xffff, v54;
	v54 =	vand.u32 $0x3F, v19;
	v19 =	vand.u32 $0x3F, v22;
	v22 =	vand.u32 $0x3F, v27  }
0x76: {  	[tilespmem:$0x1FD10] =	vst v4;
	v43 =	vld.idx.msk [tilespmem:v50+s3+$0x0], $0xffff;
	v50 =	vand.u32 $0x3F, v20;
	v20 =	vshll.u32 v22, $0x7  }
0x77: {  	[tilespmem:v32+s12+$0x0] =	vst.idx.msk $0xffff, v33;
	v33 =	vld.idx.msk [tilespmem:v52+s3+$0x0], $0xffff;
	v52 =	vor.u32 v13, v20  }
0x78: {  	[tilespmem:$0x1FD60] =	vst v52;
	v52 =	vld [tilespmem:$0x1FF10]  }
0x79: {  	s22 =	sadd.s32 $0x5, s21;
	[tilespmem:v58+s12+$0x0] =	vst.idx.msk $0xffff, v38  }
0x7a: {  	v21 =	vadd.s32 s22, v24;
	v38 =	vmov v16;
	[tilespmem:v28+s12+$0x0] =	vst.idx.msk $0xffff, v36;
	v36 =	vld.idx.msk [tilespmem:v60+s3+$0x0], $0xffff  }
0x7b: {  	v60 =	vmov v11;
	v11 =	vld [tilespmem:$0x1FFD0];
	v7 =	vor.u32 v49, v10;
	[tilespmem:v5+s12+$0x0] =	vst.idx.msk $0xffff, v43;
	v43 =	vor.u32 v49, v14  }
0x7c: {  	v42 =	vld.idx.msk [tilespmem:v37+s3+$0x0], $0xffff;
	v37 =	vmov v15;
	[tilespmem:$0x1FD70] =	vst v7;
	v16 =	vor.u32 v57, v35;
	v15 =	vor.u32 v54, v35  }
0x7d: {  	v21 =	vand.u32 $0x3F, v21;
	v47 =	vor.u32 v22, v35;
	[tilespmem:v46+s12+$0x0] =	vst.idx.msk $0xffff, v18;
	v18 =	vld.idx.msk [tilespmem:v29+s3+$0x0], $0xffff;
	v27 =	vshll.u32 v50, $0x7  }
0x7e: {  	v4 =	vor.u32 v19, v35;
	v29 =	vor.u32 v56, v35;
	v7 =	vor.u32 v17, v27;
	v40 =	vld.idx.msk [tilespmem:v40+s3+$0x0], $0xffff  }
0x7f: {  	v46 =	vor.u32 v21, v35;
	v2 =	vor.u32 v50, v35;
	v35 =	vshll.u32 v19, $0x7;
	[tilespmem:$0x1FDD0] =	vst v7;
	v7 =	vld [tilespmem:$0x1FEE0]  }
0x80: {  	v43 =	vld.idx.msk [tilespmem:v43+s3+$0x0], $0xffff;
	[tilespmem:v52+s12+$0x0] =	vst.idx.msk $0xffff, v48;
	v52 =	vor.u32 v11, v35  }
0x81: {  	v58 =	vshll.u32 v57, $0x7;
	[tilespmem:$0x1FE30] =	vst v52;
	v52 =	vld [tilespmem:$0x1FF00]  }
0x82: {  	[tilespmem:$0x1FD20] =	vst v1;
	v1 =	vor.u32 v30, v58;
	v41 =	vld.idx.msk [tilespmem:v16+s3+$0x0], $0xffff  }
0x83: {  	[tilespmem:v59+s12+$0x0] =	vst.idx.msk $0xffff, v40  }
0x84: {  	v40 =	vld.idx.msk [tilespmem:v51+s3+$0x0], $0xffff;
	_ =	sdelay $0x2  }
0x85: {  	[tilespmem:v1+s12+$0x0] =	vst.idx.msk $0xffff, v41  }
0x86: {  	[tilespmem:v7+s12+$0x0] =	vst.idx.msk $0xffff, v42;
	v7 =	vld [tilespmem:$0x1FF20]  }
0x87: {  	[tilespmem:v52+s12+$0x0] =	vst.idx.msk $0xffff, v40;
	v40 =	vld [tilespmem:$0x1FED0]  }
0x88: {  	v28 =	vld [tilespmem:$0x1FF50]  }
0x89: {  	v44 =	vld.idx.msk [tilespmem:v15+s3+$0x0], $0xffff  }
0x8a: {  	v29 =	vld.idx.msk [tilespmem:v29+s3+$0x0], $0xffff  }
0x8b: {  	v15 =	vshll.u32 v54, $0x7;
	v5 =	vor.u32 v30, v35;
	v1 =	vld.idx.msk [tilespmem:v46+s3+$0x0], $0xffff  }
0x8c: {  	v25 =	vshll.u32 v21, $0x7;
	[tilespmem:$0x1FDE0] =	vst v5;
	v5 =	vor.u32 v30, v15;
	v52 =	vld [tilespmem:$0x1FFA0]  }
0x8d: {  	v46 =	vor.u32 v30, v25;
	[tilespmem:v61+s12+$0x0] =	vst.idx.msk $0xffff, v31;
	v48 =	vld.idx.msk [tilespmem:v8+s3+$0x0], $0xffff  }
0x8e: {  	[tilespmem:v39+s12+$0x0] =	vst.idx.msk $0xffff, v18;
	v51 =	vor.u32 v17, v60;
	v42 =	vld.idx.msk [tilespmem:v7+s3+$0x0], $0xffff  }
0x8f: {  	v39 =	vor.u32 v19, v10;
	[tilespmem:v62+s12+$0x0] =	vst.idx.msk $0xffff, v36;
	v8 =	vld.idx.msk [tilespmem:v40+s3+$0x0], $0xffff  }
0x90: {  	v45 =	vor.u32 v57, v14;
	v16 =	vshll.u32 v56, $0x7;
	[tilespmem:$0x1FE20] =	vst v39;
	v40 =	vld [tilespmem:$0x1FEF0]  }
0x91: {  	v18 =	vor.u32 v30, v16;
	[tilespmem:v5+s12+$0x0] =	vst.idx.msk $0xffff, v44;
	v17 =	vor.u32 v52, v9;
	v52 =	vld [tilespmem:$0x1FEB0]  }
0x92: {  	[tilespmem:v46+s12+$0x0] =	vst.idx.msk $0xffff, v1  }
0x93: {  	v39 =	vld.idx.msk [tilespmem:v63+s3+$0x0], $0xffff;
	v5 =	vor.u32 v11, v26;
	[tilespmem:v51+s12+$0x0] =	vst.idx.msk $0xffff, v42  }
0x94: {  	[tilespmem:$0x1FDB0] =	vst v5;
	v24 =	vld.idx.msk [tilespmem:v55+s3+$0x0], $0xffff;
	v55 =	vor.u32 v11, v27  }
0x95: {  	v5 =	vor.u32 v49, v28;
	[tilespmem:$0x1FDA0] =	vst v55;
	v55 =	vld [tilespmem:$0x1FEC0]  }
0x96: {  	[tilespmem:v18+s12+$0x0] =	vst.idx.msk $0xffff, v29;
	v29 =	vld.idx.msk [tilespmem:v45+s3+$0x0], $0xffff;
	v45 =	vor.u32 v13, v58  }
0x97: {  	v2 =	vld.idx.msk [tilespmem:v2+s3+$0x0], $0xffff;
	[tilespmem:$0x1FDC0] =	vst v5  }
0x98: {  	v63 =	vor.u32 v56, v14;
	v5 =	vmov v9;
	v9 =	vld [tilespmem:$0x1FFB0];
	[tilespmem:v40+s12+$0x0] =	vst.idx.msk $0xffff, v39  }
0x99: {  	v6 =	vor.u32 v54, v14;
	v39 =	vld.idx.msk [tilespmem:v52+s3+$0x0], $0xffff  }
0x9a: {  	[tilespmem:$0x1FD30] =	vst v3;
	v52 =	vld [tilespmem:$0x1FE90]  }
0x9b: {  	v3 =	vor.u32 v13, v35;
	[tilespmem:v45+s12+$0x0] =	vst.idx.msk $0xffff, v29;
	v45 =	vld [tilespmem:$0x1FFA0]  }
0x9c: {  	[tilespmem:$0x1FE10] =	vst v3;
	v3 =	vor.u32 v30, v27  }
0x9d: {  	v59 =	vld.idx.msk [tilespmem:v63+s3+$0x0], $0xffff;
	[tilespmem:v55+s12+$0x0] =	vst.idx.msk $0xffff, v48;
	v55 =	vor.u32 v9, v0  }
0x9e: {  	v63 =	vor.u32 v13, v15;
	v6 =	vld.idx.msk [tilespmem:v6+s3+$0x0], $0xffff  }
0x9f: {  	v47 =	vld.idx.msk [tilespmem:v47+s3+$0x0], $0xffff;
	v51 =	vor.u32 v21, v14  }
0xa0: {  	v45 =	vor.u32 v45, v60;
	[tilespmem:$0x1FD90] =	vst v55;
	v55 =	vmov v23;
	v23 =	vld [tilespmem:$0x1FFF0]  }
0xa1: {  	[tilespmem:v3+s12+$0x0] =	vst.idx.msk $0xffff, v2;
	v2 =	vmov v53;
	v53 =	vld [tilespmem:$0x1FEA0]  }
0xa2: {  	v3 =	vld.idx.msk [tilespmem:v52+s3+$0x0], $0xffff  }
0xa3: {  	[tilespmem:v63+s12+$0x0] =	vst.idx.msk $0xffff, v6;
	v63 =	vld [tilespmem:$0x1FE50]  }
0xa4: {  	v51 =	vld.idx.msk [tilespmem:v51+s3+$0x0], $0xffff  }
0xa5: {  	v41 =	vor.u32 v30, v20;
	[tilespmem:v45+s12+$0x0] =	vst.idx.msk $0xffff, v24;
	v45 =	vld [tilespmem:$0x1FE40];
	v1 =	vor.u32 v23, v26  }
0xa6: {  	[tilespmem:$0x1FDF0] =	vst v1;
	v1 =	vld [tilespmem:$0x1FD10]  }
0xa7: {  	[tilespmem:v17+s12+$0x0] =	vst.idx.msk $0xffff, v8;
	v8 =	vor.u32 v2, v53;
	v2 =	vld [tilespmem:$0x1FE70]  }
0xa8: {  	[tilespmem:$0x1FD80] =	vst v4;
	v4 =	vor.u32 v50, v14  }
0xa9: {  	v30 =	vor.u32 v9, v12;
	v12 =	vld [tilespmem:$0x1FFC0]  }
0xaa: {  	[tilespmem:v41+s12+$0x0] =	vst.idx.msk $0xffff, v47;
	v47 =	vld [tilespmem:$0x1FD20]  }
0xab: {  	v6 =	vor.u32 v9, v1;
	v63 =	vld.idx.msk [tilespmem:v63+s3+$0x0], $0xffff;
	_ =	sdelay $0x1  }
0xac: {  	v32 =	vor.u32 v22, v14;
	v46 =	vor.u32 v13, v27;
	v4 =	vld.idx.msk [tilespmem:v4+s3+$0x0], $0xffff  }
0xad: {  	v61 =	vor.u32 v50, v10;
	v41 =	vld.idx.msk [tilespmem:v45+s3+$0x0], $0xffff;
	v24 =	vor.u32 v12, v34  }
0xae: {  	v45 =	vor.u32 v12, v5;
	v47 =	vor.u32 v47, v53;
	v17 =	vld.idx.msk [tilespmem:v2+s3+$0x0], $0xffff  }
0xaf: {  	[tilespmem:v6+s12+$0x0] =	vst.idx.msk $0xffff, v63;
	v63 =	vld [tilespmem:$0x1FD40]  }
0xb0: {  	[tilespmem:v30+s12+$0x0] =	vst.idx.msk $0xffff, v39  }
0xb1: {  	v36 =	vor.u32 v57, v10;
	v32 =	vld.idx.msk [tilespmem:v32+s3+$0x0], $0xffff;
	[tilespmem:v46+s12+$0x0] =	vst.idx.msk $0xffff, v4  }
0xb2: {  	v31 =	vor.u32 v13, v16;
	[tilespmem:v24+s12+$0x0] =	vst.idx.msk $0xffff, v33;
	v46 =	vor.u32 v12, v0;
	v4 =	vld.idx.msk [tilespmem:v61+s3+$0x0], $0xffff  }
0xb3: {  	[tilespmem:v45+s12+$0x0] =	vst.idx.msk $0xffff, v17;
	v17 =	vor.u32 v12, v37;
	v6 =	vor.u32 v9, v37;
	v37 =	vld.idx.msk [tilespmem:v47+s3+$0x0], $0xffff  }
0xb4: {  	v47 =	vor.u32 v9, v60;
	v61 =	vor.u32 v63, v53;
	v63 =	vor.u32 v12, v60;
	v60 =	vld [tilespmem:$0x1FF40];
	_ =	sdelay $0x1  }
0xb5: {  	v62 =	vor.u32 v13, v26;
	v7 =	vor.u32 v54, v10  }
0xb6: {  	v36 =	vld.idx.msk [tilespmem:v36+s3+$0x0], $0xffff  }
0xb7: {  	[tilespmem:v31+s12+$0x0] =	vst.idx.msk $0xffff, v59;
	v2 =	vld [tilespmem:$0x1FE60]  }
0xb8: {  	v38 =	vor.u32 v9, v38;
	[tilespmem:v46+s12+$0x0] =	vst.idx.msk $0xffff, v41;
	v45 =	vld [tilespmem:$0x1FD50];
	v59 =	vor.u32 v57, v60  }
0xb9: {  	v34 =	vor.u32 v9, v34;
	v52 =	vor.u32 v11, v15;
	v1 =	vmov v5;
	[tilespmem:$0x1FE40] =	vst v59;
	v59 =	vld [tilespmem:$0x1FD60]  }
0xba: {  	v7 =	vld.idx.msk [tilespmem:v7+s3+$0x0], $0xffff;
	[tilespmem:v62+s12+$0x0] =	vst.idx.msk $0xffff, v43;
	v62 =	vor.u32 v9, v1;
	v9 =	vor.u32 v49, v53  }
0xbb: {  	[tilespmem:$0x1FE50] =	vst v9;
	v9 =	vor.u32 v21, v60  }
0xbc: {  	v33 =	vor.u32 v54, v28;
	v41 =	vld.idx.msk [tilespmem:v61+s3+$0x0], $0xffff;
	[tilespmem:$0x1FE60] =	vst v9;
	v9 =	vor.u32 v12, v26  }
0xbd: {  	v44 =	vor.u32 v22, v10;
	[tilespmem:$0x1FEC0] =	vst v9;
	v9 =	vld [tilespmem:$0x1FF60]  }
0xbe: {  	v24 =	vor.u32 v45, v53;
	v45 =	vor.u32 v55, v53;
	[tilespmem:v17+s12+$0x0] =	vst.idx.msk $0xffff, v3;
	v61 =	vld [tilespmem:$0x1FD70]  }
0xbf: {  	v18 =	vor.u32 v56, v10;
	v2 =	vld.idx.msk [tilespmem:v2+s3+$0x0], $0xffff;
	[tilespmem:v52+s12+$0x0] =	vst.idx.msk $0xffff, v7;
	v7 =	vor.u32 v54, v60  }
0xc0: {  	v5 =	vld [tilespmem:$0x1FD30];
	[tilespmem:$0x1FE90] =	vst v7  }
0xc1: {  	v31 =	vor.u32 v23, v15;
	v17 =	vld.idx.msk [tilespmem:v33+s3+$0x0], $0xffff;
	[tilespmem:v59+s12+$0x0] =	vst.idx.msk $0xffff, v32  }
0xc2: {  	v7 =	vor.u32 v50, v53;
	v32 =	vld.idx.msk [tilespmem:v44+s3+$0x0], $0xffff;
	[tilespmem:v34+s12+$0x0] =	vst.idx.msk $0xffff, v37;
	v34 =	vor.u32 v54, v9  }
0xc3: {  	[tilespmem:$0x1FEB0] =	vst v7;
	v7 =	vld.idx.msk [tilespmem:v45+s3+$0x0], $0xffff  }
0xc4: {  	v18 =	vld.idx.msk [tilespmem:v18+s3+$0x0], $0xffff;
	[tilespmem:v63+s12+$0x0] =	vst.idx.msk $0xffff, v2  }
0xc5: {  	v29 =	vor.u32 v11, v20;
	v42 =	vor.u32 v11, v16;
	v3 =	vld.idx.msk [tilespmem:v24+s3+$0x0], $0xffff  }
0xc6: {  	v40 =	vor.u32 v11, v58;
	v39 =	vor.u32 v13, v25;
	[tilespmem:v31+s12+$0x0] =	vst.idx.msk $0xffff, v17;
	v0 =	vld.idx.msk [tilespmem:v61+s3+$0x0], $0xffff  }
0xc7: {  	v5 =	vor.u32 v5, v53;
	v24 =	vor.u32 v56, v28;
	v53 =	vmov v56;
	v56 =	vld.idx.msk [tilespmem:v34+s3+$0x0], $0xffff  }
0xc8: {  	v61 =	vor.u32 v23, v25;
	[tilespmem:v6+s12+$0x0] =	vst.idx.msk $0xffff, v7;
	v6 =	vor.u32 v11, v25;
	v11 =	vmov v25;
	v25 =	vld [tilespmem:$0x1FD90];
	_ =	sdelay $0x1  }
0xc9: {  	v8 =	vld.idx.msk [tilespmem:v8+s3+$0x0], $0xffff;
	_ =	sdelay $0x1  }
0xca: {  	v46 =	vld [tilespmem:$0x1FFA0]  }
0xcb: {  	[tilespmem:v42+s12+$0x0] =	vst.idx.msk $0xffff, v18;
	v5 =	vld.idx.msk [tilespmem:v5+s3+$0x0], $0xffff  }
0xcc: {  	[tilespmem:v40+s12+$0x0] =	vst.idx.msk $0xffff, v36;
	v42 =	vld.idx.msk [tilespmem:v24+s3+$0x0], $0xffff  }
0xcd: {  	v2 =	vor.u32 v21, v10;
	[tilespmem:v38+s12+$0x0] =	vst.idx.msk $0xffff, v8;
	v8 =	vld [tilespmem:$0x1FD80]  }
0xce: {  	v30 =	vor.u32 v23, v16;
	[tilespmem:v25+s12+$0x0] =	vst.idx.msk $0xffff, v41;
	v25 =	vld [tilespmem:$0x1FDA0]  }
0xcf: {  	v1 =	vor.u32 v12, v27;
	v24 =	vld [tilespmem:$0x1FF90];
	v18 =	vor.u32 v53, v9  }
0xd0: {  	[tilespmem:$0x1FEF0] =	vst v1;
	v33 =	vld [tilespmem:$0x1FF90]  }
0xd1: {  	v10 =	vmov v35;
	v35 =	vld [tilespmem:$0x1FF70];
	[tilespmem:v39+s12+$0x0] =	vst.idx.msk $0xffff, v51  }
0xd2: {  	[tilespmem:v62+s12+$0x0] =	vst.idx.msk $0xffff, v5;
	v17 =	vor.u32 v57, v28;
	v2 =	vld.idx.msk [tilespmem:v2+s3+$0x0], $0xffff  }
0xd3: {  	v48 =	vor.u32 v22, v28;
	v55 =	vor.u32 v19, v60;
	v44 =	vld [tilespmem:$0x1FF90];
	[tilespmem:v30+s12+$0x0] =	vst.idx.msk $0xffff, v42  }
0xd4: {  	v63 =	vor.u32 v46, v58;
	[tilespmem:$0x1FE70] =	vst v55;
	v24 =	vor.u32 v24, v15;
	v18 =	vld.idx.msk [tilespmem:v18+s3+$0x0], $0xffff  }
0xd5: {  	[tilespmem:$0x1FEE0] =	vst v63;
	v8 =	vld.idx.msk [tilespmem:v8+s3+$0x0], $0xffff  }
0xd6: {  	v13 =	vmov v58;
	v1 =	vor.u32 v23, v27;
	v52 =	vor.u32 v22, v60;
	[tilespmem:v25+s12+$0x0] =	vst.idx.msk $0xffff, v4;
	v25 =	vld [tilespmem:$0x1FDB0]  }
0xd7: {  	v40 =	vor.u32 v19, v28;
	[tilespmem:v29+s12+$0x0] =	vst.idx.msk $0xffff, v32;
	v58 =	vld.idx.msk [tilespmem:v17+s3+$0x0], $0xffff;
	v17 =	vor.u32 v21, v28  }
0xd8: {  	v55 =	vor.u32 v49, v60;
	v5 =	vor.u32 v33, v10;
	[tilespmem:v47+s12+$0x0] =	vst.idx.msk $0xffff, v3;
	v7 =	vld.idx.msk [tilespmem:v48+s3+$0x0], $0xffff  }
0xd9: {  	v62 =	vor.u32 v19, v35;
	v33 =	vor.u32 v49, v35;
	v47 =	vmov v57;
	[tilespmem:v24+s12+$0x0] =	vst.idx.msk $0xffff, v56;
	v24 =	vld [tilespmem:$0x1FF80]  }
0xda: {  	[tilespmem:$0x1FED0] =	vst v62;
	v57 =	vor.u32 v50, v28;
	v45 =	vor.u32 v47, v9;
	v30 =	vor.u32 v23, v13;
	v28 =	vld [tilespmem:$0x1FDD0]  }
0xdb: {  	[tilespmem:v6+s12+$0x0] =	vst.idx.msk $0xffff, v2;
	v4 =	vor.u32 v44, v16;
	v44 =	vor.u32 v49, v9;
	v49 =	vld [tilespmem:$0x1FDE0]  }
0xdc: {  	v39 =	vor.u32 v21, v9;
	v29 =	vor.u32 v23, v20;
	v48 =	vor.u32 v53, v35;
	v31 =	vld.idx.msk [tilespmem:v17+s3+$0x0], $0xffff  }
0xdd: {  	v63 =	vor.u32 v50, v60;
	v60 =	vor.u32 v53, v60;
	[tilespmem:$0x1FF20] =	vst v39;
	v32 =	vor.u32 v22, v9;
	v17 =	vld [tilespmem:$0x1FF90]  }
0xde: {  	v43 =	vor.u32 v21, v35;
	v62 =	vor.u32 v12, v16;
	[tilespmem:v25+s12+$0x0] =	vst.idx.msk $0xffff, v0;
	v25 =	vld [tilespmem:$0x1FDC0]  }
0xdf: {  	v51 =	vor.u32 v19, v9;
	v41 =	vor.u32 v19, v14;
	[tilespmem:v30+s12+$0x0] =	vst.idx.msk $0xffff, v58;
	v0 =	vld.idx.msk [tilespmem:v57+s3+$0x0], $0xffff  }
0xe0: {  	v59 =	vor.u32 v23, v10;
	v2 =	vor.u32 v50, v9;
	v38 =	vld.idx.msk [tilespmem:v45+s3+$0x0], $0xffff;
	[tilespmem:v4+s12+$0x0] =	vst.idx.msk $0xffff, v18  }
0xe1: {  	p1 =	slt.u32 s21, $0x38;
	v37 =	vor.u32 v46, v26;
	v23 =	vmov v54;
	[tilespmem:v29+s12+$0x0] =	vst.idx.msk $0xffff, v7;
	v54 =	vld.idx.msk [tilespmem:v48+s3+$0x0], $0xffff  }
.Ltmp0:
0xe2: {  	[tilespmem:$0x1FF10] =	vst v37;
	v37 =	vor.u32 v47, v35;
	v56 =	vor.u32 v23, v35;
	v57 =	vld.idx.msk [tilespmem:v32+s3+$0x0], $0xffff;
	(pc) =	sbr.rel @p1 .LBB2_3-.Ltmp0, $4  }
0xe3: {  	v29 =	vor.u32 v50, v35;
	[tilespmem:v49+s12+$0x0] =	vst.idx.msk $0xffff, v8;
	v49 =	vor.u32 v22, v35;
	v35 =	vld [tilespmem:$0x1FDF0]  }
0xe4: {  	v39 =	vor.u32 v46, v27;
	v8 =	vmov v55;
	v55 =	vmov v43;
	v43 =	vld.idx.msk [tilespmem:v41+s3+$0x0], $0xffff;
	[tilespmem:v1+s12+$0x0] =	vst.idx.msk $0xffff, v0  }
0xe5: {  	s29 =	sadd.s32 $0x8, s21;
	[tilespmem:$0x1FF00] =	vst v5;
	v42 =	vor.u32 v46, v16;
	v30 =	vlaneseq.u32;
	v45 =	vor.u32 v17, v20;
	v36 =	vld.idx.msk [tilespmem:v2+s3+$0x0], $0xffff  }
0xe6: {  	s21 =	smov.u32 s29;
	v58 =	vor.u32 v17, v13;
	v32 =	vor.u32 v46, v20;
	v41 =	vor.u32 v17, v26;
	v34 =	vld.idx.msk [tilespmem:v25+s3+$0x0], $0xffff  }
0xe7: {  	v0 =	vld [tilespmem:$0x1FE10];
	_ =	sdelay $0x7  }
0xe8: {  	[tilespmem:v0+s12+$0x0] =	vst.idx.msk $0xffff, v43  }
0xe9: {  	v0 =	vld [tilespmem:$0x1FE20];
	_ =	sdelay $0x4  }
0xea: {  	v1 =	vld [tilespmem:$0x1FE30];
	_ =	sdelay $0x2  }
0xeb: {  	v0 =	vld.idx.msk [tilespmem:v0+s3+$0x0], $0xffff;
	_ =	sdelay $0x3  }
0xec: {  	[tilespmem:v35+s12+$0x0] =	vst.idx.msk $0xffff, v34  }
0xed: {  	[tilespmem:v1+s12+$0x0] =	vst.idx.msk $0xffff, v0  }
0xee: {  	[tilespmem:v45+s12+$0x0] =	vst.idx.msk $0xffff, v57;
	v0 =	vld.idx.msk [tilespmem:v40+s3+$0x0], $0xffff  }
0xef: {  	[tilespmem:v28+s12+$0x0] =	vst.idx.msk $0xffff, v36  }
0xf0: {  	[tilespmem:v58+s12+$0x0] =	vst.idx.msk $0xffff, v38;
	v40 =	vld.idx.msk [tilespmem:v44+s3+$0x0], $0xffff  }
0xf1: {  	[tilespmem:v61+s12+$0x0] =	vst.idx.msk $0xffff, v31;
	v2 =	vld.idx.msk [tilespmem:v29+s3+$0x0], $0xffff  }
0xf2: {  	[tilespmem:v42+s12+$0x0] =	vst.idx.msk $0xffff, v54  }
0xf3: {  	[tilespmem:v59+s12+$0x0] =	vst.idx.msk $0xffff, v0  }
0xf4: {  	v5 =	vld [tilespmem:$0x1FF20]  }
0xf5: {  	[tilespmem:v41+s12+$0x0] =	vst.idx.msk $0xffff, v40  }
0xf6: {  	[tilespmem:v39+s12+$0x0] =	vst.idx.msk $0xffff, v2  }
0xf7: {  	v9 =	vld [tilespmem:$0x1FF00];
	_ =	sdelay $0x1  }
0xf8: {  	v3 =	vld.idx.msk [tilespmem:v56+s3+$0x0], $0xffff;
	v4 =	vor.u32 v46, v15  }
0xf9: {  	v0 =	vld.idx.msk [tilespmem:v51+s3+$0x0], $0xffff  }
0xfa: {  	v7 =	vld.idx.msk [tilespmem:v49+s3+$0x0], $0xffff  }
0xfb: {  	v6 =	vor.u32 v17, v11;
	v5 =	vld.idx.msk [tilespmem:v5+s3+$0x0], $0xffff;
	_ =	sdelay $0x1  }
0xfc: {  	[tilespmem:v4+s12+$0x0] =	vst.idx.msk $0xffff, v3  }
0xfd: {  	[tilespmem:v9+s12+$0x0] =	vst.idx.msk $0xffff, v0  }
0xfe: {  	v0 =	vld [tilespmem:$0x1FED0];
	[tilespmem:v32+s12+$0x0] =	vst.idx.msk $0xffff, v7  }
0xff: {  	[tilespmem:v6+s12+$0x0] =	vst.idx.msk $0xffff, v5  }
0x100: {  	v9 =	vld [tilespmem:$0x1FF10];
	_ =	sdelay $0x2  }
0x101: {  	v1 =	vld.idx.msk [tilespmem:v33+s3+$0x0], $0xffff;
	_ =	sdelay $0x4  }
0x102: {  	[tilespmem:v9+s12+$0x0] =	vst.idx.msk $0xffff, v1  }
0x103: {  	v1 =	vld.idx.msk [tilespmem:v8+s3+$0x0], $0xffff  }
0x104: {  	v8 =	vld [tilespmem:$0x1FEF0];
	_ =	sdelay $0x2  }
0x105: {  	v2 =	vld.idx.msk [tilespmem:v63+s3+$0x0], $0xffff;
	_ =	sdelay $0x1  }
0x106: {  	v42 =	vor.u32 v46, v10;
	v0 =	vld.idx.msk [tilespmem:v0+s3+$0x0], $0xffff  }
0x107: {  	v43 =	vld.idx.msk [tilespmem:v60+s3+$0x0], $0xffff;
	_ =	sdelay $0x1  }
0x108: {  	v44 =	vor.u32 v46, v11;
	v5 =	vld.idx.msk [tilespmem:v55+s3+$0x0], $0xffff;
	[tilespmem:v8+s12+$0x0] =	vst.idx.msk $0xffff, v2  }
0x109: {  	v2 =	vld [tilespmem:$0x1FEB0]  }
0x10a: {  	v29 =	vld [tilespmem:$0x1FFB0];
	[tilespmem:v42+s12+$0x0] =	vst.idx.msk $0xffff, v0  }
0x10b: {  	[tilespmem:v62+s12+$0x0] =	vst.idx.msk $0xffff, v43  }
0x10c: {  	v0 =	vld [tilespmem:$0x1FE70]  }
0x10d: {  	v14 =	vmov v10;
	v10 =	vld [tilespmem:$0x1FFC0];
	[tilespmem:v44+s12+$0x0] =	vst.idx.msk $0xffff, v5  }
0x10e: {  	v9 =	vld [tilespmem:$0x1FEE0];
	_ =	sdelay $0x2  }
0x10f: {  	v45 =	vld.idx.msk [tilespmem:v37+s3+$0x0], $0xffff;
	_ =	sdelay $0x4  }
0x110: {  	v12 =	vld [tilespmem:$0x1FEA0];
	[tilespmem:v9+s12+$0x0] =	vst.idx.msk $0xffff, v45  }
0x111: {  	v17 =	vld [tilespmem:$0x1FE90];
	_ =	sdelay $0x6  }
0x112: {  	v49 =	vld.idx.msk [tilespmem:v52+s3+$0x0], $0xffff  }
0x113: {  	v52 =	vor.u32 v22, v12;
	v22 =	vld.idx.msk [tilespmem:v17+s3+$0x0], $0xffff  }
0x114: {  	v17 =	vld [tilespmem:$0x1FEC0];
	_ =	sdelay $0x3  }
0x115: {  	v8 =	vor.u32 v29, v27;
	v2 =	vld.idx.msk [tilespmem:v2+s3+$0x0], $0xffff;
	_ =	sdelay $0x1  }
0x116: {  	v9 =	vld [tilespmem:$0x1FE60];
	_ =	sdelay $0x1  }
0x117: {  	[tilespmem:v17+s12+$0x0] =	vst.idx.msk $0xffff, v1  }
0x118: {  	v17 =	vld [tilespmem:$0x1FE50];
	[tilespmem:v8+s12+$0x0] =	vst.idx.msk $0xffff, v2  }
0x119: {  	v18 =	vld [tilespmem:$0x1FE40]  }
0x11a: {  	v48 =	vor.u32 v10, v14;
	v0 =	vld.idx.msk [tilespmem:v0+s3+$0x0], $0xffff  }
0x11b: {  	v51 =	vor.u32 v19, v12  }
0x11c: {  	v50 =	vor.u32 v10, v20  }
0x11d: {  	v28 =	vor.u32 v10, v11;
	v9 =	vld.idx.msk [tilespmem:v9+s3+$0x0], $0xffff  }
0x11e: {  	v54 =	vor.u32 v10, v15;
	v21 =	vor.u32 v21, v12  }
0x11f: {  	v55 =	vor.u32 v23, v12;
	[tilespmem:v48+s12+$0x0] =	vst.idx.msk $0xffff, v0  }
0x120: {  	v57 =	vor.u32 v29, v14;
	v8 =	vor.u32 v53, v12;
	v3 =	vld.idx.msk [tilespmem:v51+s3+$0x0], $0xffff  }
0x121: {  	v19 =	vor.u32 v10, v13;
	[tilespmem:v50+s12+$0x0] =	vst.idx.msk $0xffff, v49;
	v18 =	vld.idx.msk [tilespmem:v18+s3+$0x0], $0xffff  }
0x122: {  	v58 =	vor.u32 v29, v20;
	v56 =	vor.u32 v47, v12;
	[tilespmem:v28+s12+$0x0] =	vst.idx.msk $0xffff, v9;
	v5 =	vld.idx.msk [tilespmem:v52+s3+$0x0], $0xffff  }
0x123: {  	v59 =	vor.u32 v29, v11;
	[tilespmem:v54+s12+$0x0] =	vst.idx.msk $0xffff, v22;
	v60 =	vld.idx.msk [tilespmem:v21+s3+$0x0], $0xffff  }
0x124: {  	v9 =	vor.u32 v29, v15;
	v2 =	vld.idx.msk [tilespmem:v55+s3+$0x0], $0xffff  }
0x125: {  	v15 =	vor.u32 v29, v16;
	v8 =	vld.idx.msk [tilespmem:v8+s3+$0x0], $0xffff;
	[tilespmem:v57+s12+$0x0] =	vst.idx.msk $0xffff, v3  }
0x126: {  	s19 =	sshrl.u32 s18, $0x1;
	v27 =	vld.idx.msk [tilespmem:v17+s3+$0x0], $0xffff;
	v17 =	vor.u32 v29, v26;
	[tilespmem:v19+s12+$0x0] =	vst.idx.msk $0xffff, v18  }
0x127: {  	s21 =	sand.u32 $0x2, s20;
	s19 =	smul.u32 $0xFA000, s19;
	v14 =	vor.u32 v29, v13;
	[tilespmem:v58+s12+$0x0] =	vst.idx.msk $0xffff, v5;
	v0 =	vld.idx.msk [tilespmem:v56+s3+$0x0], $0xffff  }
0x128: {  	s21 =	sor.u32 s8, s21;
	[tilespmem:v59+s12+$0x0] =	vst.idx.msk $0xffff, v60  }
0x129: {  	s21 =	sshll.u32 s21, $0xA;
	s19 =	sadd.s32 s6, s19;
	[tilespmem:v9+s12+$0x0] =	vst.idx.msk $0xffff, v2  }
0x12a: {  	s21 =	sor.u32 s19, s21;
	[tilespmem:v15+s12+$0x0] =	vst.idx.msk $0xffff, v8  }
0x12b: {  	s21 =	sshrl.u32 s21, $0x3;
	[tilespmem:v17+s12+$0x0] =	vst.idx.msk $0xffff, v27  }
0x12c: {  	s21 =	sadd.s32 s2, s21;
	[tilespmem:v14+s12+$0x0] =	vst.idx.msk $0xffff, v0  }
0x12d: {  	[hbm4b:s21+s13] =	stream.strided.scatter [tilespmem:s12], [sflag:$0x1], $0x2000, s14, s13, $0x38;
	[tilespmem:$0x1A000] =	vst v63  }
0x12e: {  	s21 =	simm.s32 @!p0 $0x2  }
0x12f: {  	s20 =	sor.u32 $0x1, s20;
	_ =	swait.ge @!p0 [sflag:s21], $0x2000  }
0x130: {  	s22 =	sshll.u32 s20, $0x7;
	[sflag:s21] =	ssyncset.done @!p0 $0x0  }
0x131: {  	[sflag:s21] =	ssyncadd.s32 @!p0 $0xFFFFE000;
	s21 =	sand.u32 $0x3FFFFF80, s22  }
0x132: {  	v61 =	vld [tilespmem:s21+$0xFC00];
	_ =	sdelay $0x1  }
0x133: {  	s25 =	simm.s32 $0x0;
	s26 =	simm.s32 $0x1  }
0x134: {  	s23 =	simm.s32 $0x7;
	s24 =	simm.s32 $0x5;
	s28 =	simm.s32 $0x2;
	v34 =	vadd.s32 s25, v24;
	v35 =	vadd.s32 s26, v24  }
0x135: {  	s29 =	simm.s32 $0x4;
	v36 =	vadd.s32 s23, v24;
	v38 =	vadd.s32 s24, v24;
	v37 =	vadd.s32 s28, v24  }
0x136: {  	s30 =	simm.s32 $0x6;
	v41 =	vadd.s32 s29, v24;
	v54 =	vand.u32 $0x3F, v35;
	v9 =	vshll.u32 v61, $0x6  }
0x137: {  	s31 =	simm.s32 $0x3;
	v43 =	vadd.s32 s30, v24;
	v0 =	vand.u32 $0x3F, v37;
	v63 =	vld [tilespmem:s21+$0xFC20];
	v39 =	vor.u32 v54, v9  }
0x138: {  	v42 =	vadd.s32 s31, v24;
	v22 =	vand.u32 $0x3F, v43;
	v40 =	vor.u32 v0, v9  }
0x139: {  	v53 =	vshll.u32 v54, $0x7;
	v21 =	vand.u32 $0x3F, v38;
	v57 =	vand.u32 $0x3F, v41;
	v12 =	vld [tilespmem:$0x1FFE0]  }
0x13a: {  	v8 =	vor.u32 v30, v53;
	v17 =	vand.u32 $0x3F, v36;
	v19 =	vand.u32 $0x3F, v42;
	v62 =	vld [tilespmem:s21+$0xFC10]  }
0x13b: {  	v56 =	vand.u32 $0x3F, v34;
	v55 =	vshll.u32 v19, $0x7;
	v26 =	vshll.u32 v0, $0x7;
	v32 =	vld [tilespmem:s21+$0xFC30]  }
0x13c: {  	v59 =	vor.u32 v30, v26;
	v18 =	vshll.u32 v63, $0x6;
	v44 =	vor.u32 v57, v9;
	v47 =	vld.idx.msk [tilespmem:v39+s3+$0x0], $0xffff;
	[tilespmem:$0x1FB80] =	vst v9  }
0x13d: {  	v45 =	vor.u32 v56, v9;
	v58 =	vor.u32 v21, v9;
	v6 =	vor.u32 v22, v9;
	v5 =	vld.idx.msk [tilespmem:v40+s3+$0x0], $0xffff  }
0x13e: {  	v33 =	vld [tilespmem:s21+$0xFC40];
	v31 =	vor.u32 v19, v9;
	v23 =	vor.u32 v17, v9;
	v9 =	vor.u32 v12, v55  }
0x13f: {  	v29 =	vld [tilespmem:s21+$0xFC50];
	[tilespmem:$0x1FB90] =	vst v9;
	v9 =	vor.u32 v19, v18  }
0x140: {  	v28 =	vld [tilespmem:s21+$0xFC60];
	[tilespmem:$0x1FBA0] =	vst v9  }
0x141: {  	v34 =	vld [tilespmem:s21+$0xFC70];
	[tilespmem:v8+s15+$0x0] =	vst.idx.msk $0xffff, v47  }
0x142: {  	[tilespmem:v59+s15+$0x0] =	vst.idx.msk $0xffff, v5  }
0x143: {  	v9 =	vld [tilespmem:$0x1FF90]  }
0x144: {  	v16 =	vshll.u32 v56, $0x7  }
0x145: {  	v15 =	vshll.u32 v57, $0x7;
	v60 =	vor.u32 v30, v16;
	v1 =	vld.idx.msk [tilespmem:v45+s3+$0x0], $0xffff  }
0x146: {  	v51 =	vshll.u32 v21, $0x7;
	v63 =	vor.u32 v30, v15;
	v61 =	vld.idx.msk [tilespmem:v44+s3+$0x0], $0xffff  }
0x147: {  	v27 =	vshll.u32 v17, $0x7;
	v3 =	vld.idx.msk [tilespmem:v58+s3+$0x0], $0xffff;
	v8 =	vor.u32 v30, v51  }
0x148: {  	v48 =	vor.u32 v30, v27;
	v59 =	vld.idx.msk [tilespmem:v23+s3+$0x0], $0xffff;
	v9 =	vor.u32 v9, v27  }
0x149: {  	[tilespmem:$0x1FBB0] =	vst v9  }
0x14a: {  	[tilespmem:v60+s15+$0x0] =	vst.idx.msk $0xffff, v1  }
0x14b: {  	[tilespmem:v63+s15+$0x0] =	vst.idx.msk $0xffff, v61  }
0x14c: {  	v14 =	vshll.u32 v62, $0x6;
	[tilespmem:v8+s15+$0x0] =	vst.idx.msk $0xffff, v3  }
0x14d: {  	v4 =	vor.u32 v54, v14;
	[tilespmem:v48+s15+$0x0] =	vst.idx.msk $0xffff, v59  }
0x14e: {  	v58 =	vor.u32 v57, v14;
	v11 =	vld [tilespmem:$0x1FFD0];
	_ =	sdelay $0x1  }
0x14f: {  	v49 =	vor.u32 v17, v14  }
0x150: {  	v36 =	vor.u32 v56, v14  }
0x151: {  	v25 =	vshll.u32 v33, $0x6;
	v33 =	vor.u32 v0, v14;
	v23 =	vor.u32 v12, v53;
	v4 =	vld.idx.msk [tilespmem:v4+s3+$0x0], $0xffff  }
0x152: {  	v62 =	vshll.u32 v22, $0x7;
	v61 =	vor.u32 v12, v15;
	v8 =	vld.idx.msk [tilespmem:v58+s3+$0x0], $0xffff;
	v9 =	vor.u32 v11, v55  }
0x153: {  	v7 =	vor.u32 v30, v62;
	v24 =	vor.u32 v21, v14;
	v6 =	vld.idx.msk [tilespmem:v6+s3+$0x0], $0xffff;
	[tilespmem:$0x1FBC0] =	vst v9  }
0x154: {  	v60 =	vor.u32 v12, v27;
	v39 =	vld.idx.msk [tilespmem:v49+s3+$0x0], $0xffff  }
0x155: {  	v43 =	vor.u32 v12, v26;
	v45 =	vor.u32 v12, v16;
	v63 =	vor.u32 v57, v18;
	v36 =	vld.idx.msk [tilespmem:v36+s3+$0x0], $0xffff  }
0x156: {  	v50 =	vshll.u32 v32, $0x6;
	v32 =	vor.u32 v22, v14;
	v33 =	vld.idx.msk [tilespmem:v33+s3+$0x0], $0xffff;
	[tilespmem:v23+s15+$0x0] =	vst.idx.msk $0xffff, v4  }
0x157: {  	v1 =	vor.u32 v56, v18;
	[tilespmem:v61+s15+$0x0] =	vst.idx.msk $0xffff, v8  }
0x158: {  	[tilespmem:v7+s15+$0x0] =	vst.idx.msk $0xffff, v6;
	v61 =	vld.idx.msk [tilespmem:v24+s3+$0x0], $0xffff  }
0x159: {  	v13 =	vld [tilespmem:$0x1FFF0];
	[tilespmem:v60+s15+$0x0] =	vst.idx.msk $0xffff, v39  }
0x15a: {  	v28 =	vshll.u32 v28, $0x6;
	v52 =	vor.u32 v12, v62;
	v59 =	vld.idx.msk [tilespmem:v63+s3+$0x0], $0xffff;
	[tilespmem:v45+s15+$0x0] =	vst.idx.msk $0xffff, v36  }
0x15b: {  	v24 =	vor.u32 v12, v51;
	v12 =	vor.u32 v54, v28;
	v7 =	vld.idx.msk [tilespmem:v32+s3+$0x0], $0xffff;
	[tilespmem:v43+s15+$0x0] =	vst.idx.msk $0xffff, v33  }
0x15c: {  	v48 =	vor.u32 v11, v15;
	v9 =	vshll.u32 v34, $0x6;
	v1 =	vld.idx.msk [tilespmem:v1+s3+$0x0], $0xffff;
	[tilespmem:$0x1FBD0] =	vst v12  }
0x15d: {  	v12 =	vor.u32 v0, v9;
	[tilespmem:$0x1FC10] =	vst v18  }
0x15e: {  	[tilespmem:$0x1FBE0] =	vst v12;
	v12 =	vor.u32 v21, v28  }
0x15f: {  	[tilespmem:$0x1FBF0] =	vst v12;
	v12 =	vor.u32 v19, v28  }
0x160: {  	v60 =	vor.u32 v57, v50;
	[tilespmem:$0x1FC00] =	vst v12  }
0x161: {  	v42 =	vor.u32 v54, v18;
	v35 =	vor.u32 v57, v28;
	[tilespmem:v48+s15+$0x0] =	vst.idx.msk $0xffff, v59  }
0x162: {  	[tilespmem:$0x1FC20] =	vst v35  }
0x163: {  	v58 =	vor.u32 v22, v18;
	v36 =	vor.u32 v17, v9;
	[tilespmem:$0x1FC30] =	vst v9  }
0x164: {  	v47 =	vor.u32 v11, v16;
	[tilespmem:$0x1FC40] =	vst v36  }
0x165: {  	v2 =	vld.idx.msk [tilespmem:v60+s3+$0x0], $0xffff;
	[tilespmem:v52+s15+$0x0] =	vst.idx.msk $0xffff, v7;
	v52 =	vor.u32 v10, v26  }
0x166: {  	v12 =	vshll.u32 v29, $0x6;
	v6 =	vld.idx.msk [tilespmem:v42+s3+$0x0], $0xffff;
	[tilespmem:$0x1FC50] =	vst v52  }
0x167: {  	v9 =	vor.u32 v19, v12;
	[tilespmem:v24+s15+$0x0] =	vst.idx.msk $0xffff, v61  }
0x168: {  	v7 =	vld.idx.msk [tilespmem:v58+s3+$0x0], $0xffff;
	[tilespmem:$0x1FC60] =	vst v9  }
0x169: {  	[tilespmem:v47+s15+$0x0] =	vst.idx.msk $0xffff, v1  }
0x16a: {  	v63 =	vor.u32 v56, v50;
	v9 =	vld [tilespmem:$0x1FF90]  }
0x16b: {  	v37 =	vor.u32 v17, v18  }
0x16c: {  	v44 =	vor.u32 v0, v18  }
0x16d: {  	v43 =	vor.u32 v13, v15;
	v59 =	vor.u32 v10, v27  }
0x16e: {  	v29 =	vor.u32 v21, v18;
	[tilespmem:$0x1FC70] =	vst v59  }
0x16f: {  	v4 =	vor.u32 v11, v53;
	v1 =	vld.idx.msk [tilespmem:v63+s3+$0x0], $0xffff;
	v35 =	vor.u32 v9, v55;
	v9 =	vor.u32 v46, v26  }
0x170: {  	v3 =	vor.u32 v11, v62;
	v60 =	vld.idx.msk [tilespmem:v37+s3+$0x0], $0xffff;
	[tilespmem:$0x1FC80] =	vst v9;
	v9 =	vor.u32 v21, v25  }
0x171: {  	v63 =	vld.idx.msk [tilespmem:v44+s3+$0x0], $0xffff;
	[tilespmem:$0x1FC90] =	vst v9  }
0x172: {  	v9 =	vor.u32 v19, v25;
	[tilespmem:v43+s15+$0x0] =	vst.idx.msk $0xffff, v2  }
0x173: {  	v5 =	vld.idx.msk [tilespmem:v29+s3+$0x0], $0xffff;
	[tilespmem:$0x1FCA0] =	vst v9  }
0x174: {  	v39 =	vor.u32 v13, v16;
	v58 =	vor.u32 v57, v25;
	[tilespmem:v4+s15+$0x0] =	vst.idx.msk $0xffff, v6  }
0x175: {  	v34 =	vor.u32 v11, v27;
	v8 =	vor.u32 v22, v50;
	[tilespmem:v3+s15+$0x0] =	vst.idx.msk $0xffff, v7  }
0x176: {  	v6 =	vld [tilespmem:$0x1FF90];
	_ =	sdelay $0x1  }
0x177: {  	v40 =	vor.u32 v11, v26;
	v61 =	vor.u32 v54, v50  }
0x178: {  	v45 =	vor.u32 v11, v51;
	v3 =	vld.idx.msk [tilespmem:v58+s3+$0x0], $0xffff;
	[tilespmem:v39+s15+$0x0] =	vst.idx.msk $0xffff, v1  }
0x179: {  	v44 =	vor.u32 v56, v25;
	v8 =	vld.idx.msk [tilespmem:v8+s3+$0x0], $0xffff;
	v1 =	vor.u32 v13, v62;
	[tilespmem:v34+s15+$0x0] =	vst.idx.msk $0xffff, v60  }
0x17a: {  	v49 =	vor.u32 v0, v50;
	v9 =	vld [tilespmem:$0x1FF90];
	v6 =	vor.u32 v6, v15  }
0x17b: {  	v7 =	vor.u32 v17, v50  }
0x17c: {  	v58 =	vor.u32 v13, v53;
	v29 =	vld.idx.msk [tilespmem:v61+s3+$0x0], $0xffff;
	[tilespmem:v40+s15+$0x0] =	vst.idx.msk $0xffff, v63  }
0x17d: {  	v31 =	vld.idx.msk [tilespmem:v31+s3+$0x0], $0xffff;
	[tilespmem:v45+s15+$0x0] =	vst.idx.msk $0xffff, v5  }
0x17e: {  	v2 =	vld.idx.msk [tilespmem:v44+s3+$0x0], $0xffff;
	[tilespmem:v1+s15+$0x0] =	vst.idx.msk $0xffff, v8  }
0x17f: {  	v36 =	vld.idx.msk [tilespmem:v49+s3+$0x0], $0xffff;
	v43 =	vor.u32 v9, v16;
	[tilespmem:v6+s15+$0x0] =	vst.idx.msk $0xffff, v3  }
0x180: {  	v42 =	vor.u32 v21, v50;
	v3 =	vld.idx.msk [tilespmem:v7+s3+$0x0], $0xffff;
	[tilespmem:$0x1FCB0] =	vst v14  }
0x181: {  	v41 =	vor.u32 v30, v55;
	v44 =	vor.u32 v22, v25;
	[tilespmem:v58+s15+$0x0] =	vst.idx.msk $0xffff, v29  }
0x182: {  	v45 =	vor.u32 v54, v25;
	[tilespmem:$0x1FCC0] =	vst v56  }
0x183: {  	v6 =	vor.u32 v13, v27;
	[tilespmem:$0x1FCD0] =	vst v28  }
0x184: {  	[tilespmem:v43+s15+$0x0] =	vst.idx.msk $0xffff, v2  }
0x185: {  	v23 =	vor.u32 v13, v26;
	v59 =	vor.u32 v13, v55;
	v32 =	vld.idx.msk [tilespmem:v42+s3+$0x0], $0xffff;
	[tilespmem:$0x1FCE0] =	vst v50  }
0x186: {  	v61 =	vor.u32 v13, v51;
	v13 =	vmov v57;
	v57 =	vld.idx.msk [tilespmem:v44+s3+$0x0], $0xffff;
	[tilespmem:v41+s15+$0x0] =	vst.idx.msk $0xffff, v31  }
0x187: {  	v38 =	vld.idx.msk [tilespmem:v45+s3+$0x0], $0xffff;
	[tilespmem:$0x1FCF0] =	vst v25  }
0x188: {  	[tilespmem:v6+s15+$0x0] =	vst.idx.msk $0xffff, v3  }
0x189: {  	v11 =	vor.u32 v10, v16;
	v48 =	vor.u32 v0, v28;
	v49 =	vor.u32 v19, v14;
	v14 =	vmovc v54;
	v54 =	vld [tilespmem:$0x1FF90]  }
0x18a: {  	v33 =	vor.u32 v0, v12;
	v52 =	vor.u32 v22, v28;
	v7 =	vor.u32 v17, v25;
	v58 =	vld [tilespmem:$0x1FF90]  }
0x18b: {  	v24 =	vor.u32 v21, v12;
	v47 =	vor.u32 v46, v53;
	v5 =	vor.u32 v56, v12;
	v9 =	vld [tilespmem:$0x1FF90]  }
0x18c: {  	v60 =	vor.u32 v56, v28;
	v39 =	vor.u32 v46, v27;
	v34 =	vor.u32 v17, v12  }
0x18d: {  	v63 =	vor.u32 v17, v28;
	v40 =	vor.u32 v19, v50;
	v29 =	vor.u32 v46, v16  }
0x18e: {  	v37 =	vor.u32 v14, v12;
	v56 =	vor.u32 v13, v12;
	v44 =	vor.u32 v0, v25;
	v43 =	vld.idx.msk [tilespmem:v49+s3+$0x0], $0xffff  }
0x18f: {  	v31 =	vor.u32 v46, v62;
	v49 =	vor.u32 v22, v12;
	v42 =	vld.idx.msk [tilespmem:v7+s3+$0x0], $0xffff;
	v45 =	vor.u32 v54, v62  }
0x190: {  	s22 =	simm.s32 $0x8;
	v54 =	vld.idx.msk [tilespmem:v5+s3+$0x0], $0xffff;
	v58 =	vor.u32 v58, v53;
	[tilespmem:$0x1FD00] =	vst v12;
	v41 =	vor.u32 v9, v26  }
.LBB2_5:
0x191: {  	v10 =	vld [tilespmem:$0x1FF80];
	_ =	sdelay $0x4  }
0x192: {  	v2 =	vld.idx.msk [tilespmem:v56+s3+$0x0], $0xffff;
	[tilespmem:v58+s15+$0x0] =	vst.idx.msk $0xffff, v38;
	v1 =	vadd.s32 s22, v10  }
0x193: {  	v56 =	vand.u32 $0x3F, v1;
	v1 =	vld.idx.msk [tilespmem:v37+s3+$0x0], $0xffff  }
0x194: {  	v37 =	vld [tilespmem:$0x1FB90];
	_ =	sdelay $0x4  }
0x195: {  	[tilespmem:$0x1FAD0] =	vst v14;
	v14 =	vld [tilespmem:$0x1FB80]  }
0x196: {  	[tilespmem:v23+s15+$0x0] =	vst.idx.msk $0xffff, v36  }
0x197: {  	s21 =	sadd.s32 $0x1, s22;
	v3 =	vor.u32 v46, v15;
	v46 =	vld.idx.msk [tilespmem:v44+s3+$0x0], $0xffff  }
0x198: {  	v4 =	vmov v62;
	v62 =	vadd.s32 s21, v10;
	[tilespmem:v37+s15+$0x0] =	vst.idx.msk $0xffff, v43;
	v43 =	vld [tilespmem:$0x1FBA0]  }
0x199: {  	[tilespmem:v45+s15+$0x0] =	vst.idx.msk $0xffff, v57;
	v44 =	vld [tilespmem:$0x1FBB0];
	v57 =	vand.u32 $0x3F, v62  }
0x19a: {  	s24 =	sadd.s32 $0x7, s22;
	[tilespmem:$0x1FAA0] =	vst v4;
	v8 =	vor.u32 v57, v14  }
0x19b: {  	v28 =	vld [tilespmem:$0x1FC10];
	[tilespmem:v29+s15+$0x0] =	vst.idx.msk $0xffff, v54;
	v4 =	vadd.s32 s24, v10  }
0x19c: {  	s25 =	smov.u32 s22;
	[tilespmem:v3+s15+$0x0] =	vst.idx.msk $0xffff, v2;
	v50 =	vand.u32 $0x3F, v4;
	v4 =	vld.idx.msk [tilespmem:v60+s3+$0x0], $0xffff;
	v3 =	vor.u32 v56, v14  }
0x19d: {  	v7 =	vmov v19;
	s26 =	sadd.s32 $0x2, s25;
	v60 =	vmov v51;
	v51 =	vld [tilespmem:$0x1FBC0]  }
0x19e: {  	v5 =	vmov v22;
	v17 =	vmov v55;
	[tilespmem:$0x1FAC0] =	vst v7;
	v55 =	vadd.s32 s26, v10;
	v7 =	vld.idx.msk [tilespmem:v49+s3+$0x0], $0xffff  }
0x19f: {  	s23 =	sadd.s32 $0x5, s22;
	v6 =	vmov v21;
	[tilespmem:$0x1FAB0] =	vst v5;
	v49 =	vand.u32 $0x3F, v55;
	v5 =	vld.idx.msk [tilespmem:v8+s3+$0x0], $0xffff  }
0x1a0: {  	[tilespmem:$0x1FAE0] =	vst v6;
	v38 =	vmov v16;
	v62 =	vadd.s32 s23, v10;
	v16 =	vor.u32 v49, v14;
	v43 =	vld.idx.msk [tilespmem:v43+s3+$0x0], $0xffff  }
0x1a1: {  	v58 =	vshll.u32 v57, $0x7;
	v21 =	vand.u32 $0x3F, v62;
	v3 =	vld.idx.msk [tilespmem:v3+s3+$0x0], $0xffff;
	[tilespmem:v44+s15+$0x0] =	vst.idx.msk $0xffff, v42  }
0x1a2: {  	v6 =	vor.u32 v21, v14;
	[tilespmem:v41+s15+$0x0] =	vst.idx.msk $0xffff, v46;
	v45 =	vld.idx.msk [tilespmem:v34+s3+$0x0], $0xffff;
	v34 =	vor.u32 v30, v58  }
0x1a3: {  	[tilespmem:v11+s15+$0x0] =	vst.idx.msk $0xffff, v4;
	v4 =	vor.u32 v57, v28;
	v42 =	vld.idx.msk [tilespmem:v33+s3+$0x0], $0xffff  }
0x1a4: {  	[tilespmem:$0x1FB00] =	vst v4;
	v4 =	vld [tilespmem:$0x1FCA0]  }
0x1a5: {  	v33 =	vld.idx.msk [tilespmem:v16+s3+$0x0], $0xffff;
	[tilespmem:v51+s15+$0x0] =	vst.idx.msk $0xffff, v43  }
0x1a6: {  	[tilespmem:v31+s15+$0x0] =	vst.idx.msk $0xffff, v7;
	v40 =	vld.idx.msk [tilespmem:v40+s3+$0x0], $0xffff  }
0x1a7: {  	v0 =	vmov v26;
	v26 =	vshll.u32 v49, $0x7;
	[tilespmem:v34+s15+$0x0] =	vst.idx.msk $0xffff, v5;
	v5 =	vld.idx.msk [tilespmem:v6+s3+$0x0], $0xffff  }
0x1a8: {  	s30 =	sadd.s32 $0x3, s25;
	s31 =	sadd.s32 $0x4, s25;
	v7 =	vor.u32 v30, v26;
	[tilespmem:v61+s15+$0x0] =	vst.idx.msk $0xffff, v32;
	v32 =	vld [tilespmem:$0x1FC90]  }
0x1a9: {  	v19 =	vadd.s32 s31, v10;
	v20 =	vadd.s32 s30, v10  }
0x1aa: {  	v54 =	vand.u32 $0x3F, v19;
	v19 =	vand.u32 $0x3F, v20  }
0x1ab: {  	v23 =	vld [tilespmem:$0x1FCB0];
	v46 =	vor.u32 v19, v14;
	[tilespmem:v59+s15+$0x0] =	vst.idx.msk $0xffff, v40  }
0x1ac: {  	[tilespmem:$0x1FB20] =	vst v46;
	v40 =	vld.idx.msk [tilespmem:v4+s3+$0x0], $0xffff  }
0x1ad: {  	[tilespmem:v7+s15+$0x0] =	vst.idx.msk $0xffff, v33;
	v33 =	vld.idx.msk [tilespmem:v52+s3+$0x0], $0xffff;
	v52 =	vor.u32 v49, v28  }
0x1ae: {  	v36 =	vmovc v53;
	v53 =	vmov v27;
	v27 =	vshll.u32 v50, $0x7;
	[tilespmem:$0x1FB10] =	vst v52;
	v51 =	vshll.u32 v21, $0x7  }
0x1af: {  	[tilespmem:v47+s15+$0x0] =	vst.idx.msk $0xffff, v1;
	v47 =	vld [tilespmem:$0x1FC80];
	v34 =	vor.u32 v30, v51;
	v59 =	vor.u32 v9, v27  }
0x1b0: {  	v55 =	vshll.u32 v19, $0x7;
	v16 =	vshll.u32 v56, $0x7;
	v52 =	vld.idx.msk [tilespmem:v32+s3+$0x0], $0xffff;
	[tilespmem:$0x1FBB0] =	vst v59;
	v59 =	vor.u32 v9, v60  }
0x1b1: {  	v46 =	vor.u32 v30, v55;
	v2 =	vor.u32 v30, v16;
	[tilespmem:v35+s15+$0x0] =	vst.idx.msk $0xffff, v40;
	v35 =	vld [tilespmem:$0x1FC60]  }
0x1b2: {  	[tilespmem:$0x1FB70] =	vst v46;
	v11 =	vld [tilespmem:$0x1FFD0];
	v43 =	vor.u32 v49, v23  }
0x1b3: {  	v25 =	vld [tilespmem:$0x1FCE0];
	v29 =	vor.u32 v57, v23;
	[tilespmem:v39+s15+$0x0] =	vst.idx.msk $0xffff, v45  }
0x1b4: {  	v12 =	vld [tilespmem:$0x1FFE0];
	[tilespmem:v34+s15+$0x0] =	vst.idx.msk $0xffff, v5  }
0x1b5: {  	[tilespmem:v59+s15+$0x0] =	vst.idx.msk $0xffff, v52;
	v52 =	vld [tilespmem:$0x1FC70]  }
0x1b6: {  	v37 =	vmov v15;
	v15 =	vor.u32 v54, v14;
	[tilespmem:v2+s15+$0x0] =	vst.idx.msk $0xffff, v3;
	v39 =	vld.idx.msk [tilespmem:v63+s3+$0x0], $0xffff  }
0x1b7: {  	v41 =	vor.u32 v50, v14;
	v46 =	vld.idx.msk [tilespmem:v43+s3+$0x0], $0xffff;
	[tilespmem:v47+s15+$0x0] =	vst.idx.msk $0xffff, v42;
	v47 =	vor.u32 v11, v55  }
0x1b8: {  	v3 =	vld.idx.msk [tilespmem:v29+s3+$0x0], $0xffff;
	[tilespmem:$0x1FBC0] =	vst v47;
	v47 =	vor.u32 v49, v25  }
0x1b9: {  	[tilespmem:$0x1FB50] =	vst v47;
	v47 =	vld.idx.msk [tilespmem:v35+s3+$0x0], $0xffff  }
0x1ba: {  	v29 =	vor.u32 v12, v58;
	v35 =	vld [tilespmem:$0x1FFA0]  }
0x1bb: {  	v31 =	vld.idx.msk [tilespmem:v15+s3+$0x0], $0xffff  }
0x1bc: {  	v20 =	vshll.u32 v54, $0x7;
	v41 =	vld.idx.msk [tilespmem:v41+s3+$0x0], $0xffff  }
0x1bd: {  	v18 =	vor.u32 v30, v20;
	[tilespmem:v52+s15+$0x0] =	vst.idx.msk $0xffff, v39;
	v39 =	vld [tilespmem:$0x1FC40]  }
0x1be: {  	[tilespmem:$0x1FAF0] =	vst v46;
	v46 =	vor.u32 v54, v23  }
0x1bf: {  	[tilespmem:v29+s15+$0x0] =	vst.idx.msk $0xffff, v3;
	v29 =	vor.u32 v35, v60;
	v35 =	vld [tilespmem:$0x1FC20]  }
0x1c0: {  	v45 =	vor.u32 v19, v28  }
0x1c1: {  	[tilespmem:$0x1FBA0] =	vst v45;
	v45 =	vor.u32 v30, v27  }
0x1c2: {  	[tilespmem:v18+s15+$0x0] =	vst.idx.msk $0xffff, v31  }
0x1c3: {  	v61 =	vor.u32 v12, v20;
	v46 =	vld.idx.msk [tilespmem:v46+s3+$0x0], $0xffff  }
0x1c4: {  	[tilespmem:$0x1FA90] =	vst v0;
	v0 =	vmov v13;
	v13 =	vld [tilespmem:$0x1FFF0]  }
0x1c5: {  	v39 =	vld.idx.msk [tilespmem:v39+s3+$0x0], $0xffff  }
0x1c6: {  	s28 =	sadd.s32 $0x6, s25;
	[tilespmem:v45+s15+$0x0] =	vst.idx.msk $0xffff, v41;
	v41 =	vld [tilespmem:$0x1FC50]  }
0x1c7: {  	v22 =	vadd.s32 s28, v10;
	v45 =	vld.idx.msk [tilespmem:v35+s3+$0x0], $0xffff  }
0x1c8: {  	v22 =	vand.u32 $0x3F, v22;
	[tilespmem:v61+s15+$0x0] =	vst.idx.msk $0xffff, v46;
	v46 =	vld [tilespmem:$0x1FBE0]  }
0x1c9: {  	v8 =	vor.u32 v22, v14;
	v14 =	vld [tilespmem:$0x1FFB0]  }
0x1ca: {  	v42 =	vld.idx.msk [tilespmem:v48+s3+$0x0], $0xffff;
	v9 =	vor.u32 v13, v26  }
0x1cb: {  	[tilespmem:$0x1FB60] =	vst v9;
	v9 =	vld [tilespmem:$0x1FA90]  }
0x1cc: {  	v44 =	vor.u32 v12, v55;
	v40 =	vld [tilespmem:$0x1FFA0]  }
0x1cd: {  	[tilespmem:$0x1FB90] =	vst v44;
	v44 =	vor.u32 v56, v23  }
0x1ce: {  	v62 =	vshll.u32 v22, $0x7;
	v8 =	vld.idx.msk [tilespmem:v8+s3+$0x0], $0xffff  }
0x1cf: {  	v6 =	vor.u32 v30, v62;
	v35 =	vld [tilespmem:$0x1FC30];
	[tilespmem:v41+s15+$0x0] =	vst.idx.msk $0xffff, v42  }
0x1d0: {  	v7 =	vor.u32 v22, v23;
	v61 =	vld.idx.msk [tilespmem:v46+s3+$0x0], $0xffff  }
0x1d1: {  	v18 =	vmov v17;
	v17 =	vor.u32 v40, v17;
	v46 =	vor.u32 v14, v9;
	v9 =	vld [tilespmem:$0x1FCC0]  }
0x1d2: {  	v44 =	vld.idx.msk [tilespmem:v44+s3+$0x0], $0xffff;
	v4 =	vor.u32 v12, v16  }
0x1d3: {  	v10 =	vld [tilespmem:$0x1FFC0]  }
0x1d4: {  	v15 =	vld [tilespmem:$0x1FAA0];
	[tilespmem:v6+s15+$0x0] =	vst.idx.msk $0xffff, v8  }
0x1d5: {  	v2 =	vor.u32 v56, v28;
	v7 =	vld.idx.msk [tilespmem:v7+s3+$0x0], $0xffff  }
0x1d6: {  	v63 =	vor.u32 v50, v23;
	[tilespmem:v17+s15+$0x0] =	vst.idx.msk $0xffff, v47;
	v17 =	vor.u32 v9, v35;
	v9 =	vld [tilespmem:$0x1FC00]  }
0x1d7: {  	v59 =	vor.u32 v21, v23;
	[tilespmem:v4+s15+$0x0] =	vst.idx.msk $0xffff, v44;
	v4 =	vld [tilespmem:$0x1FB00];
	v52 =	vor.u32 v11, v27  }
0x1d8: {  	v30 =	vor.u32 v14, v53;
	[tilespmem:$0x1FB30] =	vst v52;
	v52 =	vld [tilespmem:$0x1FBD0]  }
0x1d9: {  	v24 =	vld.idx.msk [tilespmem:v24+s3+$0x0], $0xffff  }
0x1da: {  	v2 =	vld.idx.msk [tilespmem:v2+s3+$0x0], $0xffff  }
0x1db: {  	v5 =	vor.u32 v12, v27;
	v63 =	vld.idx.msk [tilespmem:v63+s3+$0x0], $0xffff  }
0x1dc: {  	v32 =	vor.u32 v12, v62;
	v34 =	vor.u32 v50, v28;
	v59 =	vld.idx.msk [tilespmem:v59+s3+$0x0], $0xffff  }
0x1dd: {  	v43 =	vor.u32 v12, v26;
	[tilespmem:v30+s15+$0x0] =	vst.idx.msk $0xffff, v39;
	v39 =	vor.u32 v12, v51;
	v12 =	vld [tilespmem:$0x1FAD0]  }
0x1de: {  	v47 =	vld.idx.msk [tilespmem:v9+s3+$0x0], $0xffff  }
0x1df: {  	v9 =	vld [tilespmem:$0x1FAB0]  }
0x1e0: {  	v48 =	vor.u32 v11, v26;
	v6 =	vld.idx.msk [tilespmem:v52+s3+$0x0], $0xffff;
	[tilespmem:v5+s15+$0x0] =	vst.idx.msk $0xffff, v63  }
0x1e1: {  	[tilespmem:$0x1FB40] =	vst v48;
	v48 =	vor.u32 v54, v28;
	v5 =	vld.idx.msk [tilespmem:v34+s3+$0x0], $0xffff;
	v34 =	vor.u32 v10, v36  }
0x1e2: {  	v4 =	vld.idx.msk [tilespmem:v4+s3+$0x0], $0xffff;
	[tilespmem:v46+s15+$0x0] =	vst.idx.msk $0xffff, v61;
	v61 =	vor.u32 v12, v35  }
0x1e3: {  	v8 =	vor.u32 v10, v18;
	v44 =	vor.u32 v14, v60;
	v63 =	vor.u32 v10, v60;
	v60 =	vld [tilespmem:$0x1FCD0]  }
0x1e4: {  	[tilespmem:v29+s15+$0x0] =	vst.idx.msk $0xffff, v24;
	v24 =	vor.u32 v10, v15;
	v29 =	vor.u32 v9, v35;
	v9 =	vld [tilespmem:$0x1FAC0]  }
0x1e5: {  	v40 =	vor.u32 v11, v16;
	v12 =	vld [tilespmem:$0x1FAE0]  }
0x1e6: {  	v48 =	vld.idx.msk [tilespmem:v48+s3+$0x0], $0xffff;
	[tilespmem:v34+s15+$0x0] =	vst.idx.msk $0xffff, v6  }
0x1e7: {  	v6 =	vld.idx.msk [tilespmem:v61+s3+$0x0], $0xffff  }
0x1e8: {  	v17 =	vld.idx.msk [tilespmem:v17+s3+$0x0], $0xffff;
	[tilespmem:v8+s15+$0x0] =	vst.idx.msk $0xffff, v47;
	v8 =	vor.u32 v10, v37  }
0x1e9: {  	v53 =	vor.u32 v11, v20;
	v52 =	vmov v18;
	[tilespmem:v24+s15+$0x0] =	vst.idx.msk $0xffff, v33;
	v18 =	vor.u32 v9, v35;
	v9 =	vld [tilespmem:$0x1FBF0]  }
0x1ea: {  	v24 =	vor.u32 v12, v35;
	v12 =	vor.u32 v54, v60;
	[tilespmem:v40+s15+$0x0] =	vst.idx.msk $0xffff, v2;
	v61 =	vld [tilespmem:$0x1FFA0]  }
0x1eb: {  	[tilespmem:$0x1FC20] =	vst v12;
	v12 =	vor.u32 v50, v35;
	v47 =	vld [tilespmem:$0x1FAF0]  }
0x1ec: {  	[tilespmem:$0x1FC40] =	vst v12  }
0x1ed: {  	[tilespmem:v8+s15+$0x0] =	vst.idx.msk $0xffff, v45  }
0x1ee: {  	v31 =	vor.u32 v22, v28;
	v12 =	vor.u32 v10, v26;
	[tilespmem:v53+s15+$0x0] =	vst.idx.msk $0xffff, v48;
	v48 =	vld [tilespmem:$0x1FD00]  }
0x1ef: {  	[tilespmem:$0x1FC50] =	vst v12;
	v53 =	vld [tilespmem:$0x1FB10]  }
0x1f0: {  	v2 =	vor.u32 v61, v26;
	[tilespmem:v43+s15+$0x0] =	vst.idx.msk $0xffff, v47;
	v43 =	vor.u32 v54, v25  }
0x1f1: {  	v38 =	vor.u32 v14, v38;
	[tilespmem:$0x1FC80] =	vst v2;
	v9 =	vld.idx.msk [tilespmem:v9+s3+$0x0], $0xffff  }
0x1f2: {  	v41 =	vor.u32 v14, v36;
	v34 =	vor.u32 v21, v60;
	v29 =	vld.idx.msk [tilespmem:v29+s3+$0x0], $0xffff;
	[tilespmem:v32+s15+$0x0] =	vst.idx.msk $0xffff, v7  }
0x1f3: {  	v36 =	vor.u32 v14, v15;
	[tilespmem:$0x1FBF0] =	vst v34;
	v31 =	vld.idx.msk [tilespmem:v31+s3+$0x0], $0xffff;
	v12 =	vor.u32 v19, v48  }
0x1f4: {  	v47 =	vor.u32 v14, v52;
	v18 =	vld.idx.msk [tilespmem:v18+s3+$0x0], $0xffff;
	[tilespmem:$0x1FC60] =	vst v12;
	v12 =	vor.u32 v10, v27  }
0x1f5: {  	v3 =	vor.u32 v11, v58;
	v34 =	vld.idx.msk [tilespmem:v43+s3+$0x0], $0xffff;
	v43 =	vor.u32 v56, v25;
	[tilespmem:$0x1FC70] =	vst v12  }
0x1f6: {  	v46 =	vor.u32 v14, v37;
	v12 =	vld [tilespmem:$0x1FCF0];
	[tilespmem:v63+s15+$0x0] =	vst.idx.msk $0xffff, v9;
	v9 =	vor.u32 v19, v60  }
0x1f7: {  	v37 =	vor.u32 v0, v35;
	v0 =	vld.idx.msk [tilespmem:v53+s3+$0x0], $0xffff;
	[tilespmem:$0x1FC00] =	vst v9;
	v9 =	vor.u32 v21, v28  }
0x1f8: {  	[tilespmem:v36+s15+$0x0] =	vst.idx.msk $0xffff, v29;
	v8 =	vld.idx.msk [tilespmem:v24+s3+$0x0], $0xffff  }
0x1f9: {  	[tilespmem:v47+s15+$0x0] =	vst.idx.msk $0xffff, v18;
	v18 =	vld [tilespmem:$0x1FFA0]  }
0x1fa: {  	v36 =	vor.u32 v57, v25;
	v2 =	vld.idx.msk [tilespmem:v43+s3+$0x0], $0xffff;
	[tilespmem:v38+s15+$0x0] =	vst.idx.msk $0xffff, v17  }
0x1fb: {  	v15 =	vmov v20;
	v17 =	vld [tilespmem:$0x1FB20];
	[tilespmem:v39+s15+$0x0] =	vst.idx.msk $0xffff, v59  }
0x1fc: {  	[tilespmem:v3+s15+$0x0] =	vst.idx.msk $0xffff, v4;
	v52 =	vor.u32 v13, v15;
	v9 =	vld.idx.msk [tilespmem:v9+s3+$0x0], $0xffff  }
0x1fd: {  	v1 =	vor.u32 v11, v62;
	[tilespmem:v44+s15+$0x0] =	vst.idx.msk $0xffff, v8;
	v8 =	vor.u32 v11, v51;
	v11 =	vld [tilespmem:$0x1FB30]  }
0x1fe: {  	[tilespmem:v41+s15+$0x0] =	vst.idx.msk $0xffff, v6;
	v47 =	vor.u32 v18, v58;
	v18 =	vld [tilespmem:$0x1FF90]  }
0x1ff: {  	v30 =	vor.u32 v13, v16;
	v33 =	vor.u32 v57, v60;
	v45 =	vld.idx.msk [tilespmem:v36+s3+$0x0], $0xffff  }
0x200: {  	[tilespmem:$0x1FBD0] =	vst v33;
	v33 =	vor.u32 v49, v35;
	v24 =	vld.idx.msk [tilespmem:v37+s3+$0x0], $0xffff;
	v28 =	vmov v56  }
0x201: {  	[tilespmem:v52+s15+$0x0] =	vst.idx.msk $0xffff, v34;
	v34 =	vor.u32 v19, v23;
	v23 =	vld [tilespmem:$0x1FB60];
	v39 =	vor.u32 v28, v12  }
0x202: {  	v20 =	vor.u32 v49, v60;
	[tilespmem:$0x1FBE0] =	vst v33;
	v53 =	vmov v58;
	v33 =	vor.u32 v19, v12;
	v58 =	vld [tilespmem:$0x1FF90]  }
0x203: {  	[tilespmem:$0x1FCA0] =	vst v33;
	v17 =	vld.idx.msk [tilespmem:v17+s3+$0x0], $0xffff;
	v35 =	vor.u32 v18, v55;
	v18 =	vor.u32 v54, v12  }
0x204: {  	v33 =	vor.u32 v49, v48;
	[tilespmem:v30+s15+$0x0] =	vst.idx.msk $0xffff, v2;
	v44 =	vor.u32 v49, v12;
	v49 =	vld [tilespmem:$0x1FB70]  }
0x205: {  	[tilespmem:v11+s15+$0x0] =	vst.idx.msk $0xffff, v5;
	v11 =	vld [tilespmem:$0x1FB40]  }
0x206: {  	v42 =	vor.u32 v22, v25;
	v4 =	vld.idx.msk [tilespmem:v39+s3+$0x0], $0xffff  }
0x207: {  	[tilespmem:v8+s15+$0x0] =	vst.idx.msk $0xffff, v9;
	v9 =	vld [tilespmem:$0x1FF90]  }
0x208: {  	v43 =	vor.u32 v50, v25;
	v40 =	vld.idx.msk [tilespmem:v18+s3+$0x0], $0xffff  }
0x209: {  	v61 =	vor.u32 v13, v51;
	[tilespmem:v46+s15+$0x0] =	vst.idx.msk $0xffff, v24;
	v24 =	vld [tilespmem:$0x1FF90]  }
0x20a: {  	v14 =	vmov v57;
	v57 =	vor.u32 v13, v62;
	[tilespmem:v1+s15+$0x0] =	vst.idx.msk $0xffff, v31;
	v29 =	vor.u32 v13, v53;
	v46 =	vld [tilespmem:$0x1FFA0]  }
0x20b: {  	v1 =	vor.u32 v13, v27;
	v63 =	vor.u32 v21, v12;
	v31 =	vor.u32 v14, v12;
	v18 =	vld.idx.msk [tilespmem:v42+s3+$0x0], $0xffff  }
0x20c: {  	v6 =	vor.u32 v50, v12;
	v37 =	vor.u32 v21, v48;
	v56 =	vor.u32 v21, v25;
	v42 =	vld [tilespmem:$0x1FF90]  }
0x20d: {  	v30 =	vor.u32 v22, v12;
	v5 =	vor.u32 v58, v16;
	[tilespmem:v11+s15+$0x0] =	vst.idx.msk $0xffff, v0;
	v0 =	vld.idx.msk [tilespmem:v43+s3+$0x0], $0xffff  }
0x20e: {  	[tilespmem:$0x1FC90] =	vst v63;
	v52 =	vor.u32 v22, v60;
	v7 =	vor.u32 v28, v48;
	v24 =	vor.u32 v24, v15;
	v11 =	vld [tilespmem:$0x1FB50]  }
0x20f: {  	v59 =	vor.u32 v13, v55;
	v63 =	vor.u32 v50, v60;
	[tilespmem:v29+s15+$0x0] =	vst.idx.msk $0xffff, v45;
	v43 =	vld [tilespmem:$0x1FF90]  }
0x210: {  	v13 =	vmov v54;
	v60 =	vor.u32 v28, v60;
	v38 =	vld.idx.msk [tilespmem:v31+s3+$0x0], $0xffff;
	[tilespmem:v49+s15+$0x0] =	vst.idx.msk $0xffff, v17  }
0x211: {  	p0 =	slt.u32 s22, $0x38;
	v32 =	vld.idx.msk [tilespmem:v56+s3+$0x0], $0xffff;
	v56 =	vor.u32 v13, v48;
	v49 =	vor.u32 v22, v48;
	[tilespmem:v57+s15+$0x0] =	vst.idx.msk $0xffff, v18  }
.Ltmp1:
0x212: {  	v41 =	vor.u32 v9, v26;
	v39 =	vor.u32 v46, v27;
	v57 =	vld.idx.msk [tilespmem:v30+s3+$0x0], $0xffff;
	[tilespmem:v5+s15+$0x0] =	vst.idx.msk $0xffff, v4;
	(pc) =	sbr.rel @p0 .LBB2_5-.Ltmp1, $4  }
0x213: {  	v45 =	vor.u32 v42, v62;
	v29 =	vor.u32 v46, v16;
	v54 =	vld.idx.msk [tilespmem:v7+s3+$0x0], $0xffff;
	[tilespmem:v24+s15+$0x0] =	vst.idx.msk $0xffff, v40  }
0x214: {  	v31 =	vor.u32 v46, v62;
	v58 =	vor.u32 v43, v53;
	v43 =	vld.idx.msk [tilespmem:v34+s3+$0x0], $0xffff;
	[tilespmem:v1+s15+$0x0] =	vst.idx.msk $0xffff, v0  }
0x215: {  	s29 =	sadd.s32 $0x8, s22;
	v24 =	vmov v37;
	v40 =	vor.u32 v19, v25;
	v37 =	vor.u32 v14, v48;
	v42 =	vld.idx.msk [tilespmem:v6+s3+$0x0], $0xffff  }
0x216: {  	s22 =	smov.u32 s29;
	[tilespmem:$0x1FCC0] =	vst v28;
	v30 =	vlaneseq.u32;
	v34 =	vor.u32 v50, v48;
	v48 =	vmovc v20;
	v36 =	vld.idx.msk [tilespmem:v11+s3+$0x0], $0xffff;
	v11 =	vor.u32 v10, v16  }
0x217: {  	v0 =	vld [tilespmem:$0x1FB90];
	_ =	sdelay $0x7  }
0x218: {  	[tilespmem:v0+s15+$0x0] =	vst.idx.msk $0xffff, v43  }
0x219: {  	v0 =	vld [tilespmem:$0x1FBA0];
	_ =	sdelay $0x4  }
0x21a: {  	v1 =	vld [tilespmem:$0x1FBC0];
	_ =	sdelay $0x2  }
0x21b: {  	v0 =	vld.idx.msk [tilespmem:v0+s3+$0x0], $0xffff;
	_ =	sdelay $0x2  }
0x21c: {  	[tilespmem:v23+s15+$0x0] =	vst.idx.msk $0xffff, v36  }
0x21d: {  	[tilespmem:v45+s15+$0x0] =	vst.idx.msk $0xffff, v57  }
0x21e: {  	[tilespmem:v1+s15+$0x0] =	vst.idx.msk $0xffff, v0  }
0x21f: {  	v1 =	vld [tilespmem:$0x1FBB0];
	_ =	sdelay $0x1  }
0x220: {  	v0 =	vld.idx.msk [tilespmem:v40+s3+$0x0], $0xffff;
	_ =	sdelay $0x3  }
0x221: {  	[tilespmem:v58+s15+$0x0] =	vst.idx.msk $0xffff, v38  }
0x222: {  	[tilespmem:v59+s15+$0x0] =	vst.idx.msk $0xffff, v0  }
0x223: {  	[tilespmem:v1+s15+$0x0] =	vst.idx.msk $0xffff, v42  }
0x224: {  	v2 =	vld [tilespmem:$0x1FCA0];
	[tilespmem:v61+s15+$0x0] =	vst.idx.msk $0xffff, v32  }
0x225: {  	[tilespmem:v29+s15+$0x0] =	vst.idx.msk $0xffff, v54  }
0x226: {  	v5 =	vld [tilespmem:$0x1FC90];
	_ =	sdelay $0x3  }
0x227: {  	v1 =	vld.idx.msk [tilespmem:v44+s3+$0x0], $0xffff  }
0x228: {  	v3 =	vld.idx.msk [tilespmem:v56+s3+$0x0], $0xffff;
	v4 =	vor.u32 v46, v15  }
0x229: {  	v0 =	vld.idx.msk [tilespmem:v34+s3+$0x0], $0xffff  }
0x22a: {  	v2 =	vld.idx.msk [tilespmem:v2+s3+$0x0], $0xffff  }
0x22b: {  	v6 =	vor.u32 v9, v51;
	v5 =	vld.idx.msk [tilespmem:v5+s3+$0x0], $0xffff  }
0x22c: {  	[tilespmem:v41+s15+$0x0] =	vst.idx.msk $0xffff, v1;
	v1 =	vld.idx.msk [tilespmem:v49+s3+$0x0], $0xffff  }
0x22d: {  	[tilespmem:v4+s15+$0x0] =	vst.idx.msk $0xffff, v3  }
0x22e: {  	[tilespmem:v39+s15+$0x0] =	vst.idx.msk $0xffff, v0  }
0x22f: {  	[tilespmem:v35+s15+$0x0] =	vst.idx.msk $0xffff, v2  }
0x230: {  	v3 =	vld [tilespmem:$0x1FC60];
	[tilespmem:v6+s15+$0x0] =	vst.idx.msk $0xffff, v5  }
0x231: {  	[tilespmem:v31+s15+$0x0] =	vst.idx.msk $0xffff, v1  }
0x232: {  	v7 =	vld [tilespmem:$0x1FC80];
	_ =	sdelay $0x2  }
0x233: {  	v0 =	vld.idx.msk [tilespmem:v33+s3+$0x0], $0xffff;
	_ =	sdelay $0x4  }
0x234: {  	[tilespmem:v7+s15+$0x0] =	vst.idx.msk $0xffff, v0  }
0x235: {  	v7 =	vld [tilespmem:$0x1FC70];
	_ =	sdelay $0x1  }
0x236: {  	v4 =	vor.u32 v46, v55;
	v3 =	vld.idx.msk [tilespmem:v3+s3+$0x0], $0xffff  }
0x237: {  	v2 =	vld.idx.msk [tilespmem:v63+s3+$0x0], $0xffff;
	_ =	sdelay $0x1  }
0x238: {  	v5 =	vld.idx.msk [tilespmem:v60+s3+$0x0], $0xffff;
	_ =	sdelay $0x1  }
0x239: {  	v6 =	vor.u32 v46, v51;
	v1 =	vld.idx.msk [tilespmem:v24+s3+$0x0], $0xffff;
	[tilespmem:v4+s15+$0x0] =	vst.idx.msk $0xffff, v3  }
0x23a: {  	v0 =	vld.idx.msk [tilespmem:v37+s3+$0x0], $0xffff;
	[tilespmem:v7+s15+$0x0] =	vst.idx.msk $0xffff, v2  }
0x23b: {  	v3 =	vld [tilespmem:$0x1FC40]  }
0x23c: {  	v28 =	vld [tilespmem:$0x1FFB0];
	[tilespmem:v11+s15+$0x0] =	vst.idx.msk $0xffff, v5  }
0x23d: {  	v5 =	vld [tilespmem:$0x1FC00]  }
0x23e: {  	v10 =	vld [tilespmem:$0x1FFC0];
	[tilespmem:v6+s15+$0x0] =	vst.idx.msk $0xffff, v1  }
0x23f: {  	v12 =	vld [tilespmem:$0x1FC30];
	[tilespmem:v47+s15+$0x0] =	vst.idx.msk $0xffff, v0  }
0x240: {  	v17 =	vld [tilespmem:$0x1FC50];
	_ =	sdelay $0x2  }
0x241: {  	v2 =	vld.idx.msk [tilespmem:v48+s3+$0x0], $0xffff  }
0x242: {  	v4 =	vor.u32 v28, v27;
	v3 =	vld.idx.msk [tilespmem:v3+s3+$0x0], $0xffff  }
0x243: {  	v7 =	vor.u32 v10, v55;
	v5 =	vld.idx.msk [tilespmem:v5+s3+$0x0], $0xffff;
	_ =	sdelay $0x2  }
0x244: {  	v60 =	vld [tilespmem:$0x1FBF0];
	[tilespmem:v17+s15+$0x0] =	vst.idx.msk $0xffff, v2  }
0x245: {  	v2 =	vld [tilespmem:$0x1FC20];
	[tilespmem:v4+s15+$0x0] =	vst.idx.msk $0xffff, v3  }
0x246: {  	v3 =	vld [tilespmem:$0x1FBE0];
	[tilespmem:v7+s15+$0x0] =	vst.idx.msk $0xffff, v5  }
0x247: {  	v7 =	vld [tilespmem:$0x1FBD0];
	_ =	sdelay $0x1  }
0x248: {  	v5 =	vld [tilespmem:$0x1FCC0];
	_ =	sdelay $0x1  }
0x249: {  	v1 =	vld.idx.msk [tilespmem:v52+s3+$0x0], $0xffff;
	v6 =	vor.u32 v10, v62;
	v8 =	vor.u32 v19, v12  }
0x24a: {  	v18 =	vor.u32 v10, v51;
	v0 =	vor.u32 v22, v12;
	v9 =	vld.idx.msk [tilespmem:v60+s3+$0x0], $0xffff  }
0x24b: {  	v19 =	vor.u32 v10, v15;
	v21 =	vor.u32 v21, v12;
	v2 =	vld.idx.msk [tilespmem:v2+s3+$0x0], $0xffff  }
0x24c: {  	v4 =	vor.u32 v28, v26;
	v5 =	vor.u32 v5, v12;
	v3 =	vld.idx.msk [tilespmem:v3+s3+$0x0], $0xffff  }
0x24d: {  	v61 =	vor.u32 v13, v12;
	v17 =	vor.u32 v10, v53;
	v7 =	vld.idx.msk [tilespmem:v7+s3+$0x0], $0xffff  }
0x24e: {  	[tilespmem:v6+s15+$0x0] =	vst.idx.msk $0xffff, v1;
	v6 =	vld.idx.msk [tilespmem:v8+s3+$0x0], $0xffff  }
0x24f: {  	v1 =	vor.u32 v14, v12;
	v8 =	vor.u32 v28, v55;
	[tilespmem:v18+s15+$0x0] =	vst.idx.msk $0xffff, v9;
	v0 =	vld.idx.msk [tilespmem:v0+s3+$0x0], $0xffff  }
0x250: {  	v62 =	vor.u32 v28, v62;
	v63 =	vld.idx.msk [tilespmem:v21+s3+$0x0], $0xffff;
	[tilespmem:v19+s15+$0x0] =	vst.idx.msk $0xffff, v2  }
0x251: {  	v2 =	vor.u32 v28, v51;
	v5 =	vld.idx.msk [tilespmem:v5+s3+$0x0], $0xffff;
	[tilespmem:v4+s15+$0x0] =	vst.idx.msk $0xffff, v3  }
0x252: {  	v3 =	vor.u32 v28, v15;
	v4 =	vld.idx.msk [tilespmem:v61+s3+$0x0], $0xffff;
	[tilespmem:v17+s15+$0x0] =	vst.idx.msk $0xffff, v7  }
0x253: {  	v7 =	vor.u32 v28, v16;
	v17 =	vld [tilespmem:$0x1FF90]  }
0x254: {  	[tilespmem:v8+s15+$0x0] =	vst.idx.msk $0xffff, v6;
	v6 =	vor.u32 v28, v53;
	v1 =	vld.idx.msk [tilespmem:v1+s3+$0x0], $0xffff  }
0x255: {  	[tilespmem:v62+s15+$0x0] =	vst.idx.msk $0xffff, v0  }
0x256: {  	[tilespmem:v2+s15+$0x0] =	vst.idx.msk $0xffff, v63  }
0x257: {  	s20 =	sand.u32 $0x3, s20;
	s18 =	sadd.s32 $0x1, s18;
	[tilespmem:v3+s15+$0x0] =	vst.idx.msk $0xffff, v4  }
0x258: {  	s20 =	sor.u32 s8, s20;
	p0 =	sne.s32 s18, $0x64;
	[tilespmem:v7+s15+$0x0] =	vst.idx.msk $0xffff, v5  }
.Ltmp2:
0x259: {  	s20 =	sshll.u32 s20, $0xA;
	[tilespmem:v6+s15+$0x0] =	vst.idx.msk $0xffff, v1;
	(pc) =	sbr.rel @p0 .LBB2_2-.Ltmp2, $4  }
0x25a: {  	s19 =	sor.u32 s19, s20;
	v24 =	vld [tilespmem:$0x1FF80]  }
0x25b: {  	s19 =	sshrl.u32 s19, $0x3;
	v2 =	vld [tilespmem:$0x1FFE0]  }
0x25c: {  	s19 =	sadd.s32 s2, s19;
	v3 =	vld [tilespmem:$0x1FFD0]  }
0x25d: {  	v6 =	vmov v10;
	[hbm4b:s19+s13] =	stream.strided.scatter [tilespmem:s15], [sflag:$0x2], $0x2000, s14, s13, $0x38;
	v4 =	vld [tilespmem:$0x1FFF0]  }
0x25e: {  	s17 =	sadd.s32 $0x1, s17  }
0x25f: {  	_ =	swait.ge [sflag:s4], $0x2000;
	p0 =	sne.s32 s17, s9  }
.Ltmp3:
0x260: {  	[sflag:s4] =	ssyncset.done $0x0;
	(pc) =	sbr.rel @p0 .LBB2_1-.Ltmp3, $4  }
0x261: {  	[sflag:s4] =	ssyncadd.s32 $0xFFFFE000  }
0x262: {  	_ =	swait.ge [sflag:s16], $0x2000  }
0x263: {  	[sflag:s16] =	ssyncset.done $0x0  }
0x264: {  	[sflag:s16] =	ssyncadd.s32 $0xFFFFE000  }
0x265: {  	_ =	sfence.sel $0x180000  }
0x266: {  	[bflag:$0x0] =	sbarrier.arrive $0xFFFF  }
0x267: {  	p0 =	sne.s32 s0, $0x0;
	_ =	strace $0x90000047  }
0x268: {  	s0 =	sadd.s32 @!p0 $0x100000, s1;
	[bflag:$0x2] =	sbarrier.arrive $0xFFFF  }
0x269: {  	[sflag:s0] =	ssyncadd.tile.s32 @!p0 $0x1;
	_ =	shalt  }
.Lfunc_end2:
_tile_overlayer_lowered:
.L_overlay_start_2:
0x26a: {  	(tag) =	ssettag $0x2  }
0x26b: {  	s0 =	rddreg [dreg:$0x0];
	s2 =	stileid.u32  }
0x26c: {  	s1 =	rddreg [dreg:$0x1];
	p0 =	sne.s32 s2, $0x0  }
0x26d: {  	s3 =	rddreg [dreg:$0x2];
	[bflag:$0x3] =	sbarrier.arrive $0xFFFF;
	s2 =	simm.s32 @!p0 $0x1C03  }
0x26e: {  	[timem:s3], [sflag:s2] =	dma.local @!p0 [hbm:s0], s1  }
0x26f: {  	s0 =	simm.s32 @!p0 $0x3  }
0x270: {  	_ =	swait.ge @!p0 [sflag:s0], s1  }
0x271: {  	s1 =	ssub.s32 @!p0 $0x0, s1;
	[sflag:s0] =	ssyncset.done @!p0 $0x0  }
0x272: {  	[sflag:s0] =	ssyncadd.s32 @!p0 s1  }
0x273: {  	[bflag:$0x3] =	sbarrier.arrive $0xFFFF  }
0x274: {  	_ =	shalt  }

</sc_bundles>
